<compile_context>
chip_gen: v7x
topology: tpu7x:2x2x1
jax: 0.10.2.dev20260603
libtpu: 0.0.44.dev20260713+nightly
codegen_flags: <defaults>
</compile_context>

<pallas_src>
import functools

import jax
import jax.numpy as jnp
from jax import lax
from jax.experimental import pallas as pl
from jax.experimental.pallas import tpu as pltpu
from jax.experimental.pallas import tpu_sc as plsc

N = 4096
D = 1024
BLK = 2048
NBLK = N // BLK

NWORK = 16
RPW = N // NWORK


def _lin_body(x_ref, wg_ref, bg_ref, va_ref, vb_ref):
    vt = (
        lax.dot_general(
            wg_ref[...], x_ref[...], (((1,), (1,)), ((), ())),
            preferred_element_type=jnp.float32,
        )
        + bg_ref[...]
    )
    va_ref[...] = vt[0]
    vb_ref[...] = vt[1]


_sc_mesh = plsc.VectorSubcoreMesh(
    core_axis_name="c", subcore_axis_name="s", num_cores=1
)


@functools.partial(
    pl.kernel,
    mesh=_sc_mesh,
    out_type=jax.ShapeDtypeStruct((2 * N,), jnp.float32),
    scratch_types=[
        pltpu.VMEM((RPW + 8,), jnp.float32),
        pltpu.VMEM((RPW + 8,), jnp.float32),
        pltpu.VMEM((2 * RPW,), jnp.float32),
        pltpu.SemaphoreType.DMA,
    ],
)
def _sc_combine(va_hbm, vb_hbm, out_hbm, va, vb, obuf, sem):
    wid = lax.axis_index("s")
    base = wid * RPW
    wrap = lax.rem(base + RPW, N)
    cps = [
        pltpu.async_copy(va_hbm.at[pl.ds(base, RPW)], va.at[pl.ds(0, RPW)], sem),
        pltpu.async_copy(va_hbm.at[pl.ds(wrap, 8)], va.at[pl.ds(RPW, 8)], sem),
        pltpu.async_copy(vb_hbm.at[pl.ds(base, RPW)], vb.at[pl.ds(0, RPW)], sem),
        pltpu.async_copy(vb_hbm.at[pl.ds(wrap, 8)], vb.at[pl.ds(RPW, 8)], sem),
    ]
    for cp in cps:
        cp.wait()

    iota = lax.iota(jnp.int32, 16)
    half_lo = lax.shift_right_logical(iota, 1)
    half_hi = half_lo + jnp.int32(8)
    parity = (iota & jnp.int32(1)).astype(jnp.bool_)
    dnums = lax.GatherDimensionNumbers(
        offset_dims=(), collapsed_slice_dims=(0,), start_index_map=(0,)
    )

    def _vperm(vec, idx):
        return lax.gather(
            vec, idx.reshape(16, 1), dnums, (1,),
            mode=lax.GatherScatterMode.PROMISE_IN_BOUNDS,
        )

    for j in range(RPW // 16):
        o = j * 16
        f0 = va[pl.ds(o, 16)]
        f1 = vb[pl.ds(o, 16)]
        oa = f0 * va[pl.ds(o + 1, 16)] + f1 * va[pl.ds(o + 2, 16)]
        ob = f0 * vb[pl.ds(o + 1, 16)] + f1 * vb[pl.ds(o + 2, 16)]
        lo = jnp.where(parity, _vperm(ob, half_lo), _vperm(oa, half_lo))
        hi = jnp.where(parity, _vperm(ob, half_hi), _vperm(oa, half_hi))
        obuf[pl.ds(2 * o, 16)] = lo
        obuf[pl.ds(2 * o + 16, 16)] = hi

    pltpu.sync_copy(obuf, out_hbm.at[pl.ds(2 * base, 2 * RPW)])


def kernel(X, Wf, bf, Wg, bg):
    del Wf, bf
    bg2 = bg.reshape(2, 1)
    va, vb = pl.pallas_call(
        _lin_body,
        grid=(NBLK,),
        in_specs=[
            pl.BlockSpec((BLK, D), lambda i: (i, 0)),
            pl.BlockSpec((2, D), lambda i: (0, 0)),
            pl.BlockSpec((2, 1), lambda i: (0, 0)),
        ],
        out_specs=[
            pl.BlockSpec((BLK,), lambda i: (i,)),
            pl.BlockSpec((BLK,), lambda i: (i,)),
        ],
        out_shape=[
            jax.ShapeDtypeStruct((N,), jnp.float32),
            jax.ShapeDtypeStruct((N,), jnp.float32),
        ],
    )(X, Wg, bg2)
    out_flat = _sc_combine(va, vb)
    return out_flat.reshape(N, 2)

# --- scband reference (transcript-rebuilt; emitter-appended) ---
"""Pipeline reference for scband-smfnet-23519240913301 (READ-ONLY COPY).

The authoritative reference and input builder live on the scoring server;
editing this copy changes nothing except your own understanding.
"""

import jax, jax.numpy as jnp
import numpy as np

D_IN = 1024
H = 2
N = 4096


def setup_inputs(seed: int = 0) -> dict:
    key = jax.random.key(seed)
    k1, k2, k3, k4, k5 = jax.random.split(key, 5)
    X = jax.random.normal(k1, (N, D_IN), dtype=jnp.float32)
    # torch.nn.Linear(D_in, H): weight [H, D_in], bias [H]
    bound = 1.0 / np.sqrt(D_IN)
    Wf = jax.random.uniform(k2, (H, D_IN), minval=-bound, maxval=bound, dtype=jnp.float32)
    bf = jax.random.uniform(k3, (H,), minval=-bound, maxval=bound, dtype=jnp.float32)
    Wg = jax.random.uniform(k4, (H, D_IN), minval=-bound, maxval=bound, dtype=jnp.float32)
    bg = jax.random.uniform(k5, (H,), minval=-bound, maxval=bound, dtype=jnp.float32)
    return {"X": X, "Wf": Wf, "bf": bf, "Wg": Wg, "bg": bg}


def reference(X, Wf, bf, Wg, bg):
    # Original forward uses g_linear for BOTH v_out and f_out; f_linear is unused.
    n = X.shape[0]
    V = X @ Wg.T + bg  # [N, 2]
    F = X @ Wg.T + bg  # [N, 2] (identical math to V, kept for faithfulness)
    rows = jnp.arange(n)
    W = jnp.zeros((n, n), dtype=X.dtype)
    for k in range(2):
        cols = (rows + 2 ** k) % n
        W = W.at[rows, cols].set(F[:, k])
    V0 = W @ V
    return V0

if __name__ == "__main__":
    import jax
    _d = setup_inputs()
    print(jax.jit(kernel)(*tuple(_d.values())))

</pallas_src>

<mosaic_0001>
#map = affine_map<(d0, d1) -> (0)>
module attributes {stable_mosaic.version = 14 : i64} {
  func.func @_sc_combine(%arg0: i32, %arg1: i32, %arg2: memref<4096xf32, #tpu.memory_space<hbm>>, %arg3: memref<4096xf32, #tpu.memory_space<hbm>>, %arg4: memref<8192xf32, #tpu.memory_space<hbm>>, %arg5: memref<264xf32, #tpu.memory_space<vmem>>, %arg6: memref<264xf32, #tpu.memory_space<vmem>>, %arg7: memref<512xf32, #tpu.memory_space<vmem>>, %arg8: memref<!tpu.dma_semaphore, #tpu.memory_space<semaphore_mem>>) attributes {dimension_semantics = [#tpu.dimension_semantics<core_parallel>, #tpu.dimension_semantics<subcore_parallel>], iteration_bounds = array<i64: 1, 16>, scalar_prefetch = 0 : i64, scratch_operands = 4 : i64, tpu.core_type = #tpu.core_type<sc_vector_subcore>, window_params = [{transform_indices = #map}, {transform_indices = #map}, {transform_indices = #map}]} {
    %mul3A = arith.constant 256 : i32
    %mul3A_0 = arith.muli %arg1, %mul3A : i32
    %add3A = arith.constant 256 : i32
    %add3A_1 = arith.addi %mul3A_0, %add3A : i32
    %rem3A = arith.constant 4096 : i32
    %rem3A_2 = arith.remsi %add3A_1, %rem3A : i32
    %dma_start3A = arith.constant 0 : i32
    %dma_start3A_3 = tpu.memref_slice %arg5[%dma_start3A] : memref<264xf32, #tpu.memory_space<vmem>> -> memref<256xf32, #tpu.memory_space<vmem>>
    %dma_start3A_4 = tpu.memref_slice %arg2[%mul3A_0] : memref<4096xf32, #tpu.memory_space<hbm>> -> memref<256xf32, #tpu.memory_space<hbm>>
    %dma_start3A_5 = arith.constant 0 : i32
    %dma_start3A_6 = tpu.memref_slice %arg5[%dma_start3A_5] : memref<264xf32, #tpu.memory_space<vmem>> -> memref<256xf32, #tpu.memory_space<vmem>>
    %dma_start3A_7 = tpu.memref_slice %arg2[%mul3A_0] : memref<4096xf32, #tpu.memory_space<hbm>> -> memref<256xf32, #tpu.memory_space<hbm>>
    tpu.enqueue_dma source(%dma_start3A_7 : memref<256xf32, #tpu.memory_space<hbm>>) target(%dma_start3A_6 : memref<256xf32, #tpu.memory_space<vmem>>) target_semaphore(%arg8 : memref<!tpu.dma_semaphore, #tpu.memory_space<semaphore_mem>>)
    %dma_start3A_8 = arith.constant 256 : i32
    %dma_start3A_9 = tpu.memref_slice %arg5[%dma_start3A_8] : memref<264xf32, #tpu.memory_space<vmem>> -> memref<8xf32, #tpu.memory_space<vmem>>
    %dma_start3A_10 = tpu.memref_slice %arg2[%rem3A_2] : memref<4096xf32, #tpu.memory_space<hbm>> -> memref<8xf32, #tpu.memory_space<hbm>>
    %dma_start3A_11 = arith.constant 256 : i32
    %dma_start3A_12 = tpu.memref_slice %arg5[%dma_start3A_11] : memref<264xf32, #tpu.memory_space<vmem>> -> memref<8xf32, #tpu.memory_space<vmem>>
    %dma_start3A_13 = tpu.memref_slice %arg2[%rem3A_2] : memref<4096xf32, #tpu.memory_space<hbm>> -> memref<8xf32, #tpu.memory_space<hbm>>
    tpu.enqueue_dma source(%dma_start3A_13 : memref<8xf32, #tpu.memory_space<hbm>>) target(%dma_start3A_12 : memref<8xf32, #tpu.memory_space<vmem>>) target_semaphore(%arg8 : memref<!tpu.dma_semaphore, #tpu.memory_space<semaphore_mem>>)
    %dma_start3A_14 = arith.constant 0 : i32
    %dma_start3A_15 = tpu.memref_slice %arg6[%dma_start3A_14] : memref<264xf32, #tpu.memory_space<vmem>> -> memref<256xf32, #tpu.memory_space<vmem>>
    %dma_start3A_16 = tpu.memref_slice %arg3[%mul3A_0] : memref<4096xf32, #tpu.memory_space<hbm>> -> memref<256xf32, #tpu.memory_space<hbm>>
    %dma_start3A_17 = arith.constant 0 : i32
    %dma_start3A_18 = tpu.memref_slice %arg6[%dma_start3A_17] : memref<264xf32, #tpu.memory_space<vmem>> -> memref<256xf32, #tpu.memory_space<vmem>>
    %dma_start3A_19 = tpu.memref_slice %arg3[%mul3A_0] : memref<4096xf32, #tpu.memory_space<hbm>> -> memref<256xf32, #tpu.memory_space<hbm>>
    tpu.enqueue_dma source(%dma_start3A_19 : memref<256xf32, #tpu.memory_space<hbm>>) target(%dma_start3A_18 : memref<256xf32, #tpu.memory_space<vmem>>) target_semaphore(%arg8 : memref<!tpu.dma_semaphore, #tpu.memory_space<semaphore_mem>>)
    %dma_start3A_20 = arith.constant 256 : i32
    %dma_start3A_21 = tpu.memref_slice %arg6[%dma_start3A_20] : memref<264xf32, #tpu.memory_space<vmem>> -> memref<8xf32, #tpu.memory_space<vmem>>
    %dma_start3A_22 = tpu.memref_slice %arg3[%rem3A_2] : memref<4096xf32, #tpu.memory_space<hbm>> -> memref<8xf32, #tpu.memory_space<hbm>>
    %dma_start3A_23 = arith.constant 256 : i32
    %dma_start3A_24 = tpu.memref_slice %arg6[%dma_start3A_23] : memref<264xf32, #tpu.memory_space<vmem>> -> memref<8xf32, #tpu.memory_space<vmem>>
    %dma_start3A_25 = tpu.memref_slice %arg3[%rem3A_2] : memref<4096xf32, #tpu.memory_space<hbm>> -> memref<8xf32, #tpu.memory_space<hbm>>
    tpu.enqueue_dma source(%dma_start3A_25 : memref<8xf32, #tpu.memory_space<hbm>>) target(%dma_start3A_24 : memref<8xf32, #tpu.memory_space<vmem>>) target_semaphore(%arg8 : memref<!tpu.dma_semaphore, #tpu.memory_space<semaphore_mem>>)
    %dma_wait3A = arith.constant 0 : i32
    %dma_wait3A_26 = tpu.memref_slice %arg5[%dma_wait3A] : memref<264xf32, #tpu.memory_space<vmem>> -> memref<256xf32, #tpu.memory_space<vmem>>
    %dma_wait3A_27 = tpu.memref_slice %arg2[%mul3A_0] : memref<4096xf32, #tpu.memory_space<hbm>> -> memref<256xf32, #tpu.memory_space<hbm>>
    %dma_wait3A_28 = arith.constant 0 : i32
    %dma_wait3A_29 = tpu.memref_slice %arg5[%dma_wait3A_28] : memref<264xf32, #tpu.memory_space<vmem>> -> memref<256xf32, #tpu.memory_space<vmem>>
    %dma_wait3A_30 = tpu.memref_slice %arg2[%mul3A_0] : memref<4096xf32, #tpu.memory_space<hbm>> -> memref<256xf32, #tpu.memory_space<hbm>>
    tpu.wait_dma2 semaphore(%arg8 : memref<!tpu.dma_semaphore, #tpu.memory_space<semaphore_mem>>) src(%dma_wait3A_30 : memref<256xf32, #tpu.memory_space<hbm>>) dst(%dma_wait3A_29 : memref<256xf32, #tpu.memory_space<vmem>>)
    %dma_wait3A_31 = arith.constant 256 : i32
    %dma_wait3A_32 = tpu.memref_slice %arg5[%dma_wait3A_31] : memref<264xf32, #tpu.memory_space<vmem>> -> memref<8xf32, #tpu.memory_space<vmem>>
    %dma_wait3A_33 = tpu.memref_slice %arg2[%rem3A_2] : memref<4096xf32, #tpu.memory_space<hbm>> -> memref<8xf32, #tpu.memory_space<hbm>>
    %dma_wait3A_34 = arith.constant 256 : i32
    %dma_wait3A_35 = tpu.memref_slice %arg5[%dma_wait3A_34] : memref<264xf32, #tpu.memory_space<vmem>> -> memref<8xf32, #tpu.memory_space<vmem>>
    %dma_wait3A_36 = tpu.memref_slice %arg2[%rem3A_2] : memref<4096xf32, #tpu.memory_space<hbm>> -> memref<8xf32, #tpu.memory_space<hbm>>
    tpu.wait_dma2 semaphore(%arg8 : memref<!tpu.dma_semaphore, #tpu.memory_space<semaphore_mem>>) src(%dma_wait3A_36 : memref<8xf32, #tpu.memory_space<hbm>>) dst(%dma_wait3A_35 : memref<8xf32, #tpu.memory_space<vmem>>)
    %dma_wait3A_37 = arith.constant 0 : i32
    %dma_wait3A_38 = tpu.memref_slice %arg6[%dma_wait3A_37] : memref<264xf32, #tpu.memory_space<vmem>> -> memref<256xf32, #tpu.memory_space<vmem>>
    %dma_wait3A_39 = tpu.memref_slice %arg3[%mul3A_0] : memref<4096xf32, #tpu.memory_space<hbm>> -> memref<256xf32, #tpu.memory_space<hbm>>
    %dma_wait3A_40 = arith.constant 0 : i32
    %dma_wait3A_41 = tpu.memref_slice %arg6[%dma_wait3A_40] : memref<264xf32, #tpu.memory_space<vmem>> -> memref<256xf32, #tpu.memory_space<vmem>>
    %dma_wait3A_42 = tpu.memref_slice %arg3[%mul3A_0] : memref<4096xf32, #tpu.memory_space<hbm>> -> memref<256xf32, #tpu.memory_space<hbm>>
    tpu.wait_dma2 semaphore(%arg8 : memref<!tpu.dma_semaphore, #tpu.memory_space<semaphore_mem>>) src(%dma_wait3A_42 : memref<256xf32, #tpu.memory_space<hbm>>) dst(%dma_wait3A_41 : memref<256xf32, #tpu.memory_space<vmem>>)
    %dma_wait3A_43 = arith.constant 256 : i32
    %dma_wait3A_44 = tpu.memref_slice %arg6[%dma_wait3A_43] : memref<264xf32, #tpu.memory_space<vmem>> -> memref<8xf32, #tpu.memory_space<vmem>>
    %dma_wait3A_45 = tpu.memref_slice %arg3[%rem3A_2] : memref<4096xf32, #tpu.memory_space<hbm>> -> memref<8xf32, #tpu.memory_space<hbm>>
    %dma_wait3A_46 = arith.constant 256 : i32
    %dma_wait3A_47 = tpu.memref_slice %arg6[%dma_wait3A_46] : memref<264xf32, #tpu.memory_space<vmem>> -> memref<8xf32, #tpu.memory_space<vmem>>
    %dma_wait3A_48 = tpu.memref_slice %arg3[%rem3A_2] : memref<4096xf32, #tpu.memory_space<hbm>> -> memref<8xf32, #tpu.memory_space<hbm>>
    tpu.wait_dma2 semaphore(%arg8 : memref<!tpu.dma_semaphore, #tpu.memory_space<semaphore_mem>>) src(%dma_wait3A_48 : memref<8xf32, #tpu.memory_space<hbm>>) dst(%dma_wait3A_47 : memref<8xf32, #tpu.memory_space<vmem>>)
    %iota3A = tpu.iota {dimensions = array<i32: 0>} : vector<16xi32>
    %shift_right_logical3A = arith.constant 1 : i32
    %shift_right_logical3A_49 = vector.broadcast %shift_right_logical3A : i32 to vector<16xi32>
    %shift_right_logical3A_50 = arith.shrui %iota3A, %shift_right_logical3A_49 : vector<16xi32>
    %add3A_51 = arith.constant 8 : i32
    %add3A_52 = vector.broadcast %add3A_51 : i32 to vector<16xi32>
    %add3A_53 = arith.addi %shift_right_logical3A_50, %add3A_52 : vector<16xi32>
    %and3A = arith.constant 1 : i32
    %and3A_54 = vector.broadcast %and3A : i32 to vector<16xi32>
    %and3A_55 = arith.andi %iota3A, %and3A_54 : vector<16xi32>
    %convert_element_type3A = arith.constant 0 : i32
    %convert_element_type3A_56 = vector.broadcast %convert_element_type3A : i32 to vector<16xi32>
    %convert_element_type3A_57 = arith.cmpi ne, %and3A_55, %convert_element_type3A_56 : vector<16xi32>
    %get3A = arith.constant 0 : index
    %get3A_58 = tpu.vector_load %arg5[%get3A] {strides = array<i32>} : memref<264xf32, #tpu.memory_space<vmem>>, vector<16xf32>,
    %get3A_59 = vector.shape_cast %get3A_58 : vector<16xf32> to vector<16xf32>
    %get3A_60 = arith.constant 0 : index
    %get3A_61 = tpu.vector_load %arg6[%get3A_60] {strides = array<i32>} : memref<264xf32, #tpu.memory_space<vmem>>, vector<16xf32>,
    %get3A_62 = vector.shape_cast %get3A_61 : vector<16xf32> to vector<16xf32>
    %get3A_63 = arith.constant 1 : index
    %get3A_64 = tpu.vector_load %arg5[%get3A_63] {strides = array<i32>} : memref<264xf32, #tpu.memory_space<vmem>>, vector<16xf32>,
    %get3A_65 = vector.shape_cast %get3A_64 : vector<16xf32> to vector<16xf32>
    %mul3A_66 = arith.mulf %get3A_59, %get3A_65 : vector<16xf32>
    %get3A_67 = arith.constant 2 : index
    %get3A_68 = tpu.vector_load %arg5[%get3A_67] {strides = array<i32>} : memref<264xf32, #tpu.memory_space<vmem>>, vector<16xf32>,
    %get3A_69 = vector.shape_cast %get3A_68 : vector<16xf32> to vector<16xf32>
    %mul3A_70 = arith.mulf %get3A_62, %get3A_69 : vector<16xf32>
    %add3A_71 = arith.addf %mul3A_66, %mul3A_70 : vector<16xf32>
    %get3A_72 = arith.constant 1 : index
    %get3A_73 = tpu.vector_load %arg6[%get3A_72] {strides = array<i32>} : memref<264xf32, #tpu.memory_space<vmem>>, vector<16xf32>,
    %get3A_74 = vector.shape_cast %get3A_73 : vector<16xf32> to vector<16xf32>
    %mul3A_75 = arith.mulf %get3A_59, %get3A_74 : vector<16xf32>
    %get3A_76 = arith.constant 2 : index
    %get3A_77 = tpu.vector_load %arg6[%get3A_76] {strides = array<i32>} : memref<264xf32, #tpu.memory_space<vmem>>, vector<16xf32>,
    %get3A_78 = vector.shape_cast %get3A_77 : vector<16xf32> to vector<16xf32>
    %mul3A_79 = arith.mulf %get3A_62, %get3A_78 : vector<16xf32>
    %add3A_80 = arith.addf %mul3A_75, %mul3A_79 : vector<16xf32>
    %reshape3A = vector.shape_cast %shift_right_logical3A_50 : vector<16xi32> to vector<16x1xi32>
    %gather3A = vector.shape_cast %reshape3A : vector<16x1xi32> to vector<16xi32>
    %gather3A_81 = tpu.dynamic_gather %add3A_80[%gather3A] in [0] : vector<16xf32>, vector<16xi32> -> vector<16xf32>
    %reshape3A_82 = vector.shape_cast %shift_right_logical3A_50 : vector<16xi32> to vector<16x1xi32>
    %gather3A_83 = vector.shape_cast %reshape3A_82 : vector<16x1xi32> to vector<16xi32>
    %gather3A_84 = tpu.dynamic_gather %add3A_71[%gather3A_83] in [0] : vector<16xf32>, vector<16xi32> -> vector<16xf32>
    %select_n3A = arith.select %convert_element_type3A_57, %gather3A_81, %gather3A_84 : vector<16xi1>, vector<16xf32>
    %reshape3A_85 = vector.shape_cast %add3A_53 : vector<16xi32> to vector<16x1xi32>
    %gather3A_86 = vector.shape_cast %reshape3A_85 : vector<16x1xi32> to vector<16xi32>
    %gather3A_87 = tpu.dynamic_gather %add3A_80[%gather3A_86] in [0] : vector<16xf32>, vector<16xi32> -> vector<16xf32>
    %reshape3A_88 = vector.shape_cast %add3A_53 : vector<16xi32> to vector<16x1xi32>
    %gather3A_89 = vector.shape_cast %reshape3A_88 : vector<16x1xi32> to vector<16xi32>
    %gather3A_90 = tpu.dynamic_gather %add3A_71[%gather3A_89] in [0] : vector<16xf32>, vector<16xi32> -> vector<16xf32>
    %select_n3A_91 = arith.select %convert_element_type3A_57, %gather3A_87, %gather3A_90 : vector<16xi1>, vector<16xf32>
    %swap3A = arith.constant 0 : index
    %swap3A_92 = tpu.vector_load %arg7[%swap3A] {strides = array<i32>} : memref<512xf32, #tpu.memory_space<vmem>>, vector<16xf32>,
    %swap3A_93 = vector.shape_cast %swap3A_92 : vector<16xf32> to vector<16xf32>
    %swap3A_94 = vector.shape_cast %select_n3A : vector<16xf32> to vector<16xf32>
    tpu.vector_store %arg7[%swap3A], %swap3A_94 {strides = array<i32>} : memref<512xf32, #tpu.memory_space<vmem>>, vector<16xf32>,
    %swap3A_95 = arith.constant 16 : index
    %swap3A_96 = tpu.vector_load %arg7[%swap3A_95] {strides = array<i32>} : memref<512xf32, #tpu.memory_space<vmem>>, vector<16xf32>,
    %swap3A_97 = vector.shape_cast %swap3A_96 : vector<16xf32> to vector<16xf32>
    %swap3A_98 = vector.shape_cast %select_n3A_91 : vector<16xf32> to vector<16xf32>
    tpu.vector_store %arg7[%swap3A_95], %swap3A_98 {strides = array<i32>} : memref<512xf32, #tpu.memory_space<vmem>>, vector<16xf32>,
    %get3A_99 = arith.constant 16 : index
    %get3A_100 = tpu.vector_load %arg5[%get3A_99] {strides = array<i32>} : memref<264xf32, #tpu.memory_space<vmem>>, vector<16xf32>,
    %get3A_101 = vector.shape_cast %get3A_100 : vector<16xf32> to vector<16xf32>
    %get3A_102 = arith.constant 16 : index
    %get3A_103 = tpu.vector_load %arg6[%get3A_102] {strides = array<i32>} : memref<264xf32, #tpu.memory_space<vmem>>, vector<16xf32>,
    %get3A_104 = vector.shape_cast %get3A_103 : vector<16xf32> to vector<16xf32>
    %get3A_105 = arith.constant 17 : index
    %get3A_106 = tpu.vector_load %arg5[%get3A_105] {strides = array<i32>} : memref<264xf32, #tpu.memory_space<vmem>>, vector<16xf32>,
    %get3A_107 = vector.shape_cast %get3A_106 : vector<16xf32> to vector<16xf32>
    %mul3A_108 = arith.mulf %get3A_101, %get3A_107 : vector<16xf32>
    %get3A_109 = arith.constant 18 : index
    %get3A_110 = tpu.vector_load %arg5[%get3A_109] {strides = array<i32>} : memref<264xf32, #tpu.memory_space<vmem>>, vector<16xf32>,
    %get3A_111 = vector.shape_cast %get3A_110 : vector<16xf32> to vector<16xf32>
    %mul3A_112 = arith.mulf %get3A_104, %get3A_111 : vector<16xf32>
    %add3A_113 = arith.addf %mul3A_108, %mul3A_112 : vector<16xf32>
    %get3A_114 = arith.constant 17 : index
    %get3A_115 = tpu.vector_load %arg6[%get3A_114] {strides = array<i32>} : memref<264xf32, #tpu.memory_space<vmem>>, vector<16xf32>,
    %get3A_116 = vector.shape_cast %get3A_115 : vector<16xf32> to vector<16xf32>
    %mul3A_117 = arith.mulf %get3A_101, %get3A_116 : vector<16xf32>
    %get3A_118 = arith.constant 18 : index
    %get3A_119 = tpu.vector_load %arg6[%get3A_118] {strides = array<i32>} : memref<264xf32, #tpu.memory_space<vmem>>, vector<16xf32>,
    %get3A_120 = vector.shape_cast %get3A_119 : vector<16xf32> to vector<16xf32>
    %mul3A_121 = arith.mulf %get3A_104, %get3A_120 : vector<16xf32>
    %add3A_122 = arith.addf %mul3A_117, %mul3A_121 : vector<16xf32>
    %reshape3A_123 = vector.shape_cast %shift_right_logical3A_50 : vector<16xi32> to vector<16x1xi32>
    %gather3A_124 = vector.shape_cast %reshape3A_123 : vector<16x1xi32> to vector<16xi32>
    %gather3A_125 = tpu.dynamic_gather %add3A_122[%gather3A_124] in [0] : vector<16xf32>, vector<16xi32> -> vector<16xf32>
    %reshape3A_126 = vector.shape_cast %shift_right_logical3A_50 : vector<16xi32> to vector<16x1xi32>
    %gather3A_127 = vector.shape_cast %reshape3A_126 : vector<16x1xi32> to vector<16xi32>
    %gather3A_128 = tpu.dynamic_gather %add3A_113[%gather3A_127] in [0] : vector<16xf32>, vector<16xi32> -> vector<16xf32>
    %select_n3A_129 = arith.select %convert_element_type3A_57, %gather3A_125, %gather3A_128 : vector<16xi1>, vector<16xf32>
    %reshape3A_130 = vector.shape_cast %add3A_53 : vector<16xi32> to vector<16x1xi32>
    %gather3A_131 = vector.shape_cast %reshape3A_130 : vector<16x1xi32> to vector<16xi32>
    %gather3A_132 = tpu.dynamic_gather %add3A_122[%gather3A_131] in [0] : vector<16xf32>, vector<16xi32> -> vector<16xf32>
    %reshape3A_133 = vector.shape_cast %add3A_53 : vector<16xi32> to vector<16x1xi32>
    %gather3A_134 = vector.shape_cast %reshape3A_133 : vector<16x1xi32> to vector<16xi32>
    %gather3A_135 = tpu.dynamic_gather %add3A_113[%gather3A_134] in [0] : vector<16xf32>, vector<16xi32> -> vector<16xf32>
    %select_n3A_136 = arith.select %convert_element_type3A_57, %gather3A_132, %gather3A_135 : vector<16xi1>, vector<16xf32>
    %swap3A_137 = arith.constant 32 : index
    %swap3A_138 = tpu.vector_load %arg7[%swap3A_137] {strides = array<i32>} : memref<512xf32, #tpu.memory_space<vmem>>, vector<16xf32>,
    %swap3A_139 = vector.shape_cast %swap3A_138 : vector<16xf32> to vector<16xf32>
    %swap3A_140 = vector.shape_cast %select_n3A_129 : vector<16xf32> to vector<16xf32>
    tpu.vector_store %arg7[%swap3A_137], %swap3A_140 {strides = array<i32>} : memref<512xf32, #tpu.memory_space<vmem>>, vector<16xf32>,
    %swap3A_141 = arith.constant 48 : index
    %swap3A_142 = tpu.vector_load %arg7[%swap3A_141] {strides = array<i32>} : memref<512xf32, #tpu.memory_space<vmem>>, vector<16xf32>,
    %swap3A_143 = vector.shape_cast %swap3A_142 : vector<16xf32> to vector<16xf32>
    %swap3A_144 = vector.shape_cast %select_n3A_136 : vector<16xf32> to vector<16xf32>
    tpu.vector_store %arg7[%swap3A_141], %swap3A_144 {strides = array<i32>} : memref<512xf32, #tpu.memory_space<vmem>>, vector<16xf32>,
    %get3A_145 = arith.constant 32 : index
    %get3A_146 = tpu.vector_load %arg5[%get3A_145] {strides = array<i32>} : memref<264xf32, #tpu.memory_space<vmem>>, vector<16xf32>,
    %get3A_147 = vector.shape_cast %get3A_146 : vector<16xf32> to vector<16xf32>
    %get3A_148 = arith.constant 32 : index
    %get3A_149 = tpu.vector_load %arg6[%get3A_148] {strides = array<i32>} : memref<264xf32, #tpu.memory_space<vmem>>, vector<16xf32>,
    %get3A_150 = vector.shape_cast %get3A_149 : vector<16xf32> to vector<16xf32>
    %get3A_151 = arith.constant 33 : index
    %get3A_152 = tpu.vector_load %arg5[%get3A_151] {strides = array<i32>} : memref<264xf32, #tpu.memory_space<vmem>>, vector<16xf32>,
    %get3A_153 = vector.shape_cast %get3A_152 : vector<16xf32> to vector<16xf32>
    %mul3A_154 = arith.mulf %get3A_147, %get3A_153 : vector<16xf32>
    %get3A_155 = arith.constant 34 : index
    %get3A_156 = tpu.vector_load %arg5[%get3A_155] {strides = array<i32>} : memref<264xf32, #tpu.memory_space<vmem>>, vector<16xf32>,
    %get3A_157 = vector.shape_cast %get3A_156 : vector<16xf32> to vector<16xf32>
    %mul3A_158 = arith.mulf %get3A_150, %get3A_157 : vector<16xf32>
    %add3A_159 = arith.addf %mul3A_154, %mul3A_158 : vector<16xf32>
    %get3A_160 = arith.constant 33 : index
    %get3A_161 = tpu.vector_load %arg6[%get3A_160] {strides = array<i32>} : memref<264xf32, #tpu.memory_space<vmem>>, vector<16xf32>,
    %get3A_162 = vector.shape_cast %get3A_161 : vector<16xf32> to vector<16xf32>
    %mul3A_163 = arith.mulf %get3A_147, %get3A_162 : vector<16xf32>
    %get3A_164 = arith.constant 34 : index
    %get3A_165 = tpu.vector_load %arg6[%get3A_164] {strides = array<i32>} : memref<264xf32, #tpu.memory_space<vmem>>, vector<16xf32>,
    %get3A_166 = vector.shape_cast %get3A_165 : vector<16xf32> to vector<16xf32>
    %mul3A_167 = arith.mulf %get3A_150, %get3A_166 : vector<16xf32>
    %add3A_168 = arith.addf %mul3A_163, %mul3A_167 : vector<16xf32>
    %reshape3A_169 = vector.shape_cast %shift_right_logical3A_50 : vector<16xi32> to vector<16x1xi32>
    %gather3A_170 = vector.shape_cast %reshape3A_169 : vector<16x1xi32> to vector<16xi32>
    %gather3A_171 = tpu.dynamic_gather %add3A_168[%gather3A_170] in [0] : vector<16xf32>, vector<16xi32> -> vector<16xf32>
    %reshape3A_172 = vector.shape_cast %shift_right_logical3A_50 : vector<16xi32> to vector<16x1xi32>
    %gather3A_173 = vector.shape_cast %reshape3A_172 : vector<16x1xi32> to vector<16xi32>
    %gather3A_174 = tpu.dynamic_gather %add3A_159[%gather3A_173] in [0] : vector<16xf32>, vector<16xi32> -> vector<16xf32>
    %select_n3A_175 = arith.select %convert_element_type3A_57, %gather3A_171, %gather3A_174 : vector<16xi1>, vector<16xf32>
    %reshape3A_176 = vector.shape_cast %add3A_53 : vector<16xi32> to vector<16x1xi32>
    %gather3A_177 = vector.shape_cast %reshape3A_176 : vector<16x1xi32> to vector<16xi32>
    %gather3A_178 = tpu.dynamic_gather %add3A_168[%gather3A_177] in [0] : vector<16xf32>, vector<16xi32> -> vector<16xf32>
    %reshape3A_179 = vector.shape_cast %add3A_53 : vector<16xi32> to vector<16x1xi32>
    %gather3A_180 = vector.shape_cast %reshape3A_179 : vector<16x1xi32> to vector<16xi32>
    %gather3A_181 = tpu.dynamic_gather %add3A_159[%gather3A_180] in [0] : vector<16xf32>, vector<16xi32> -> vector<16xf32>
    %select_n3A_182 = arith.select %convert_element_type3A_57, %gather3A_178, %gather3A_181 : vector<16xi1>, vector<16xf32>
    %swap3A_183 = arith.constant 64 : index
    %swap3A_184 = tpu.vector_load %arg7[%swap3A_183] {strides = array<i32>} : memref<512xf32, #tpu.memory_space<vmem>>, vector<16xf32>,
    %swap3A_185 = vector.shape_cast %swap3A_184 : vector<16xf32> to vector<16xf32>
    %swap3A_186 = vector.shape_cast %select_n3A_175 : vector<16xf32> to vector<16xf32>
    tpu.vector_store %arg7[%swap3A_183], %swap3A_186 {strides = array<i32>} : memref<512xf32, #tpu.memory_space<vmem>>, vector<16xf32>,
    %swap3A_187 = arith.constant 80 : index
    %swap3A_188 = tpu.vector_load %arg7[%swap3A_187] {strides = array<i32>} : memref<512xf32, #tpu.memory_space<vmem>>, vector<16xf32>,
    %swap3A_189 = vector.shape_cast %swap3A_188 : vector<16xf32> to vector<16xf32>
    %swap3A_190 = vector.shape_cast %select_n3A_182 : vector<16xf32> to vector<16xf32>
    tpu.vector_store %arg7[%swap3A_187], %swap3A_190 {strides = array<i32>} : memref<512xf32, #tpu.memory_space<vmem>>, vector<16xf32>,
    %get3A_191 = arith.constant 48 : index
    %get3A_192 = tpu.vector_load %arg5[%get3A_191] {strides = array<i32>} : memref<264xf32, #tpu.memory_space<vmem>>, vector<16xf32>,
    %get3A_193 = vector.shape_cast %get3A_192 : vector<16xf32> to vector<16xf32>
    %get3A_194 = arith.constant 48 : index
    %get3A_195 = tpu.vector_load %arg6[%get3A_194] {strides = array<i32>} : memref<264xf32, #tpu.memory_space<vmem>>, vector<16xf32>,
    %get3A_196 = vector.shape_cast %get3A_195 : vector<16xf32> to vector<16xf32>
    %get3A_197 = arith.constant 49 : index
    %get3A_198 = tpu.vector_load %arg5[%get3A_197] {strides = array<i32>} : memref<264xf32, #tpu.memory_space<vmem>>, vector<16xf32>,
    %get3A_199 = vector.shape_cast %get3A_198 : vector<16xf32> to vector<16xf32>
    %mul3A_200 = arith.mulf %get3A_193, %get3A_199 : vector<16xf32>
    %get3A_201 = arith.constant 50 : index
    %get3A_202 = tpu.vector_load %arg5[%get3A_201] {strides = array<i32>} : memref<264xf32, #tpu.memory_space<vmem>>, vector<16xf32>,
    %get3A_203 = vector.shape_cast %get3A_202 : vector<16xf32> to vector<16xf32>
    %mul3A_204 = arith.mulf %get3A_196, %get3A_203 : vector<16xf32>
    %add3A_205 = arith.addf %mul3A_200, %mul3A_204 : vector<16xf32>
    %get3A_206 = arith.constant 49 : index
    %get3A_207 = tpu.vector_load %arg6[%get3A_206] {strides = array<i32>} : memref<264xf32, #tpu.memory_space<vmem>>, vector<16xf32>,
    %get3A_208 = vector.shape_cast %get3A_207 : vector<16xf32> to vector<16xf32>
    %mul3A_209 = arith.mulf %get3A_193, %get3A_208 : vector<16xf32>
    %get3A_210 = arith.constant 50 : index
    %get3A_211 = tpu.vector_load %arg6[%get3A_210] {strides = array<i32>} : memref<264xf32, #tpu.memory_space<vmem>>, vector<16xf32>,
    %get3A_212 = vector.shape_cast %get3A_211 : vector<16xf32> to vector<16xf32>
    %mul3A_213 = arith.mulf %get3A_196, %get3A_212 : vector<16xf32>
    %add3A_214 = arith.addf %mul3A_209, %mul3A_213 : vector<16xf32>
    %reshape3A_215 = vector.shape_cast %shift_right_logical3A_50 : vector<16xi32> to vector<16x1xi32>
    %gather3A_216 = vector.shape_cast %reshape3A_215 : vector<16x1xi32> to vector<16xi32>
    %gather3A_217 = tpu.dynamic_gather %add3A_214[%gather3A_216] in [0] : vector<16xf32>, vector<16xi32> -> vector<16xf32>
    %reshape3A_218 = vector.shape_cast %shift_right_logical3A_50 : vector<16xi32> to vector<16x1xi32>
    %gather3A_219 = vector.shape_cast %reshape3A_218 : vector<16x1xi32> to vector<16xi32>
    %gather3A_220 = tpu.dynamic_gather %add3A_205[%gather3A_219] in [0] : vector<16xf32>, vector<16xi32> -> vector<16xf32>
    %select_n3A_221 = arith.select %convert_element_type3A_57, %gather3A_217, %gather3A_220 : vector<16xi1>, vector<16xf32>
    %reshape3A_222 = vector.shape_cast %add3A_53 : vector<16xi32> to vector<16x1xi32>
    %gather3A_223 = vector.shape_cast %reshape3A_222 : vector<16x1xi32> to vector<16xi32>
    %gather3A_224 = tpu.dynamic_gather %add3A_214[%gather3A_223] in [0] : vector<16xf32>, vector<16xi32> -> vector<16xf32>
    %reshape3A_225 = vector.shape_cast %add3A_53 : vector<16xi32> to vector<16x1xi32>
    %gather3A_226 = vector.shape_cast %reshape3A_225 : vector<16x1xi32> to vector<16xi32>
    %gather3A_227 = tpu.dynamic_gather %add3A_205[%gather3A_226] in [0] : vector<16xf32>, vector<16xi32> -> vector<16xf32>
    %select_n3A_228 = arith.select %convert_element_type3A_57, %gather3A_224, %gather3A_227 : vector<16xi1>, vector<16xf32>
    %swap3A_229 = arith.constant 96 : index
    %swap3A_230 = tpu.vector_load %arg7[%swap3A_229] {strides = array<i32>} : memref<512xf32, #tpu.memory_space<vmem>>, vector<16xf32>,
    %swap3A_231 = vector.shape_cast %swap3A_230 : vector<16xf32> to vector<16xf32>
    %swap3A_232 = vector.shape_cast %select_n3A_221 : vector<16xf32> to vector<16xf32>
    tpu.vector_store %arg7[%swap3A_229], %swap3A_232 {strides = array<i32>} : memref<512xf32, #tpu.memory_space<vmem>>, vector<16xf32>,
    %swap3A_233 = arith.constant 112 : index
    %swap3A_234 = tpu.vector_load %arg7[%swap3A_233] {strides = array<i32>} : memref<512xf32, #tpu.memory_space<vmem>>, vector<16xf32>,
    %swap3A_235 = vector.shape_cast %swap3A_234 : vector<16xf32> to vector<16xf32>
    %swap3A_236 = vector.shape_cast %select_n3A_228 : vector<16xf32> to vector<16xf32>
    tpu.vector_store %arg7[%swap3A_233], %swap3A_236 {strides = array<i32>} : memref<512xf32, #tpu.memory_space<vmem>>, vector<16xf32>,
    %get3A_237 = arith.constant 64 : index
    %get3A_238 = tpu.vector_load %arg5[%get3A_237] {strides = array<i32>} : memref<264xf32, #tpu.memory_space<vmem>>, vector<16xf32>,
    %get3A_239 = vector.shape_cast %get3A_238 : vector<16xf32> to vector<16xf32>
    %get3A_240 = arith.constant 64 : index
    %get3A_241 = tpu.vector_load %arg6[%get3A_240] {strides = array<i32>} : memref<264xf32, #tpu.memory_space<vmem>>, vector<16xf32>,
    %get3A_242 = vector.shape_cast %get3A_241 : vector<16xf32> to vector<16xf32>
    %get3A_243 = arith.constant 65 : index
    %get3A_244 = tpu.vector_load %arg5[%get3A_243] {strides = array<i32>} : memref<264xf32, #tpu.memory_space<vmem>>, vector<16xf32>,
    %get3A_245 = vector.shape_cast %get3A_244 : vector<16xf32> to vector<16xf32>
    %mul3A_246 = arith.mulf %get3A_239, %get3A_245 : vector<16xf32>
    %get3A_247 = arith.constant 66 : index
    %get3A_248 = tpu.vector_load %arg5[%get3A_247] {strides = array<i32>} : memref<264xf32, #tpu.memory_space<vmem>>, vector<16xf32>,
    %get3A_249 = vector.shape_cast %get3A_248 : vector<16xf32> to vector<16xf32>
    %mul3A_250 = arith.mulf %get3A_242, %get3A_249 : vector<16xf32>
    %add3A_251 = arith.addf %mul3A_246, %mul3A_250 : vector<16xf32>
    %get3A_252 = arith.constant 65 : index
    %get3A_253 = tpu.vector_load %arg6[%get3A_252] {strides = array<i32>} : memref<264xf32, #tpu.memory_space<vmem>>, vector<16xf32>,
    %get3A_254 = vector.shape_cast %get3A_253 : vector<16xf32> to vector<16xf32>
    %mul3A_255 = arith.mulf %get3A_239, %get3A_254 : vector<16xf32>
    %get3A_256 = arith.constant 66 : index
    %get3A_257 = tpu.vector_load %arg6[%get3A_256] {strides = array<i32>} : memref<264xf32, #tpu.memory_space<vmem>>, vector<16xf32>,
    %get3A_258 = vector.shape_cast %get3A_257 : vector<16xf32> to vector<16xf32>
    %mul3A_259 = arith.mulf %get3A_242, %get3A_258 : vector<16xf32>
    %add3A_260 = arith.addf %mul3A_255, %mul3A_259 : vector<16xf32>
    %reshape3A_261 = vector.shape_cast %shift_right_logical3A_50 : vector<16xi32> to vector<16x1xi32>
    %gather3A_262 = vector.shape_cast %reshape3A_261 : vector<16x1xi32> to vector<16xi32>
    %gather3A_263 = tpu.dynamic_gather %add3A_260[%gather3A_262] in [0] : vector<16xf32>, vector<16xi32> -> vector<16xf32>
    %reshape3A_264 = vector.shape_cast %shift_right_logical3A_50 : vector<16xi32> to vector<16x1xi32>
    %gather3A_265 = vector.shape_cast %reshape3A_264 : vector<16x1xi32> to vector<16xi32>
    %gather3A_266 = tpu.dynamic_gather %add3A_251[%gather3A_265] in [0] : vector<16xf32>, vector<16xi32> -> vector<16xf32>
    %select_n3A_267 = arith.select %convert_element_type3A_57, %gather3A_263, %gather3A_266 : vector<16xi1>, vector<16xf32>
    %reshape3A_268 = vector.shape_cast %add3A_53 : vector<16xi32> to vector<16x1xi32>
    %gather3A_269 = vector.shape_cast %reshape3A_268 : vector<16x1xi32> to vector<16xi32>
    %gather3A_270 = tpu.dynamic_gather %add3A_260[%gather3A_269] in [0] : vector<16xf32>, vector<16xi32> -> vector<16xf32>
    %reshape3A_271 = vector.shape_cast %add3A_53 : vector<16xi32> to vector<16x1xi32>
    %gather3A_272 = vector.shape_cast %reshape3A_271 : vector<16x1xi32> to vector<16xi32>
    %gather3A_273 = tpu.dynamic_gather %add3A_251[%gather3A_272] in [0] : vector<16xf32>, vector<16xi32> -> vector<16xf32>
    %select_n3A_274 = arith.select %convert_element_type3A_57, %gather3A_270, %gather3A_273 : vector<16xi1>, vector<16xf32>
    %swap3A_275 = arith.constant 128 : index
    %swap3A_276 = tpu.vector_load %arg7[%swap3A_275] {strides = array<i32>} : memref<512xf32, #tpu.memory_space<vmem>>, vector<16xf32>,
    %swap3A_277 = vector.shape_cast %swap3A_276 : vector<16xf32> to vector<16xf32>
    %swap3A_278 = vector.shape_cast %select_n3A_267 : vector<16xf32> to vector<16xf32>
    tpu.vector_store %arg7[%swap3A_275], %swap3A_278 {strides = array<i32>} : memref<512xf32, #tpu.memory_space<vmem>>, vector<16xf32>,
    %swap3A_279 = arith.constant 144 : index
    %swap3A_280 = tpu.vector_load %arg7[%swap3A_279] {strides = array<i32>} : memref<512xf32, #tpu.memory_space<vmem>>, vector<16xf32>,
    %swap3A_281 = vector.shape_cast %swap3A_280 : vector<16xf32> to vector<16xf32>
    %swap3A_282 = vector.shape_cast %select_n3A_274 : vector<16xf32> to vector<16xf32>
    tpu.vector_store %arg7[%swap3A_279], %swap3A_282 {strides = array<i32>} : memref<512xf32, #tpu.memory_space<vmem>>, vector<16xf32>,
    %get3A_283 = arith.constant 80 : index
    %get3A_284 = tpu.vector_load %arg5[%get3A_283] {strides = array<i32>} : memref<264xf32, #tpu.memory_space<vmem>>, vector<16xf32>,
    %get3A_285 = vector.shape_cast %get3A_284 : vector<16xf32> to vector<16xf32>
    %get3A_286 = arith.constant 80 : index
    %get3A_287 = tpu.vector_load %arg6[%get3A_286] {strides = array<i32>} : memref<264xf32, #tpu.memory_space<vmem>>, vector<16xf32>,
    %get3A_288 = vector.shape_cast %get3A_287 : vector<16xf32> to vector<16xf32>
    %get3A_289 = arith.constant 81 : index
    %get3A_290 = tpu.vector_load %arg5[%get3A_289] {strides = array<i32>} : memref<264xf32, #tpu.memory_space<vmem>>, vector<16xf32>,
    %get3A_291 = vector.shape_cast %get3A_290 : vector<16xf32> to vector<16xf32>
    %mul3A_292 = arith.mulf %get3A_285, %get3A_291 : vector<16xf32>
    %get3A_293 = arith.constant 82 : index
    %get3A_294 = tpu.vector_load %arg5[%get3A_293] {strides = array<i32>} : memref<264xf32, #tpu.memory_space<vmem>>, vector<16xf32>,
    %get3A_295 = vector.shape_cast %get3A_294 : vector<16xf32> to vector<16xf32>
    %mul3A_296 = arith.mulf %get3A_288, %get3A_295 : vector<16xf32>
    %add3A_297 = arith.addf %mul3A_292, %mul3A_296 : vector<16xf32>
    %get3A_298 = arith.constant 81 : index
    %get3A_299 = tpu.vector_load %arg6[%get3A_298] {strides = array<i32>} : memref<264xf32, #tpu.memory_space<vmem>>, vector<16xf32>,
    %get3A_300 = vector.shape_cast %get3A_299 : vector<16xf32> to vector<16xf32>
    %mul3A_301 = arith.mulf %get3A_285, %get3A_300 : vector<16xf32>
    %get3A_302 = arith.constant 82 : index
    %get3A_303 = tpu.vector_load %arg6[%get3A_302] {strides = array<i32>} : memref<264xf32, #tpu.memory_space<vmem>>, vector<16xf32>,
    %get3A_304 = vector.shape_cast %get3A_303 : vector<16xf32> to vector<16xf32>
    %mul3A_305 = arith.mulf %get3A_288, %get3A_304 : vector<16xf32>
    %add3A_306 = arith.addf %mul3A_301, %mul3A_305 : vector<16xf32>
    %reshape3A_307 = vector.shape_cast %shift_right_logical3A_50 : vector<16xi32> to vector<16x1xi32>
    %gather3A_308 = vector.shape_cast %reshape3A_307 : vector<16x1xi32> to vector<16xi32>
    %gather3A_309 = tpu.dynamic_gather %add3A_306[%gather3A_308] in [0] : vector<16xf32>, vector<16xi32> -> vector<16xf32>
    %reshape3A_310 = vector.shape_cast %shift_right_logical3A_50 : vector<16xi32> to vector<16x1xi32>
    %gather3A_311 = vector.shape_cast %reshape3A_310 : vector<16x1xi32> to vector<16xi32>
    %gather3A_312 = tpu.dynamic_gather %add3A_297[%gather3A_311] in [0] : vector<16xf32>, vector<16xi32> -> vector<16xf32>
    %select_n3A_313 = arith.select %convert_element_type3A_57, %gather3A_309, %gather3A_312 : vector<16xi1>, vector<16xf32>
    %reshape3A_314 = vector.shape_cast %add3A_53 : vector<16xi32> to vector<16x1xi32>
    %gather3A_315 = vector.shape_cast %reshape3A_314 : vector<16x1xi32> to vector<16xi32>
    %gather3A_316 = tpu.dynamic_gather %add3A_306[%gather3A_315] in [0] : vector<16xf32>, vector<16xi32> -> vector<16xf32>
    %reshape3A_317 = vector.shape_cast %add3A_53 : vector<16xi32> to vector<16x1xi32>
    %gather3A_318 = vector.shape_cast %reshape3A_317 : vector<16x1xi32> to vector<16xi32>
    %gather3A_319 = tpu.dynamic_gather %add3A_297[%gather3A_318] in [0] : vector<16xf32>, vector<16xi32> -> vector<16xf32>
    %select_n3A_320 = arith.select %convert_element_type3A_57, %gather3A_316, %gather3A_319 : vector<16xi1>, vector<16xf32>
    %swap3A_321 = arith.constant 160 : index
    %swap3A_322 = tpu.vector_load %arg7[%swap3A_321] {strides = array<i32>} : memref<512xf32, #tpu.memory_space<vmem>>, vector<16xf32>,
    %swap3A_323 = vector.shape_cast %swap3A_322 : vector<16xf32> to vector<16xf32>
    %swap3A_324 = vector.shape_cast %select_n3A_313 : vector<16xf32> to vector<16xf32>
    tpu.vector_store %arg7[%swap3A_321], %swap3A_324 {strides = array<i32>} : memref<512xf32, #tpu.memory_space<vmem>>, vector<16xf32>,
    %swap3A_325 = arith.constant 176 : index
    %swap3A_326 = tpu.vector_load %arg7[%swap3A_325] {strides = array<i32>} : memref<512xf32, #tpu.memory_space<vmem>>, vector<16xf32>,
    %swap3A_327 = vector.shape_cast %swap3A_326 : vector<16xf32> to vector<16xf32>
    %swap3A_328 = vector.shape_cast %select_n3A_320 : vector<16xf32> to vector<16xf32>
    tpu.vector_store %arg7[%swap3A_325], %swap3A_328 {strides = array<i32>} : memref<512xf32, #tpu.memory_space<vmem>>, vector<16xf32>,
    %get3A_329 = arith.constant 96 : index
    %get3A_330 = tpu.vector_load %arg5[%get3A_329] {strides = array<i32>} : memref<264xf32, #tpu.memory_space<vmem>>, vector<16xf32>,
    %get3A_331 = vector.shape_cast %get3A_330 : vector<16xf32> to vector<16xf32>
    %get3A_332 = arith.constant 96 : index
    %get3A_333 = tpu.vector_load %arg6[%get3A_332] {strides = array<i32>} : memref<264xf32, #tpu.memory_space<vmem>>, vector<16xf32>,
    %get3A_334 = vector.shape_cast %get3A_333 : vector<16xf32> to vector<16xf32>
    %get3A_335 = arith.constant 97 : index
    %get3A_336 = tpu.vector_load %arg5[%get3A_335] {strides = array<i32>} : memref<264xf32, #tpu.memory_space<vmem>>, vector<16xf32>,
    %get3A_337 = vector.shape_cast %get3A_336 : vector<16xf32> to vector<16xf32>
    %mul3A_338 = arith.mulf %get3A_331, %get3A_337 : vector<16xf32>
    %get3A_339 = arith.constant 98 : index
    %get3A_340 = tpu.vector_load %arg5[%get3A_339] {strides = array<i32>} : memref<264xf32, #tpu.memory_space<vmem>>, vector<16xf32>,
    %get3A_341 = vector.shape_cast %get3A_340 : vector<16xf32> to vector<16xf32>
    %mul3A_342 = arith.mulf %get3A_334, %get3A_341 : vector<16xf32>
    %add3A_343 = arith.addf %mul3A_338, %mul3A_342 : vector<16xf32>
    %get3A_344 = arith.constant 97 : index
    %get3A_345 = tpu.vector_load %arg6[%get3A_344] {strides = array<i32>} : memref<264xf32, #tpu.memory_space<vmem>>, vector<16xf32>,
    %get3A_346 = vector.shape_cast %get3A_345 : vector<16xf32> to vector<16xf32>
    %mul3A_347 = arith.mulf %get3A_331, %get3A_346 : vector<16xf32>
    %get3A_348 = arith.constant 98 : index
    %get3A_349 = tpu.vector_load %arg6[%get3A_348] {strides = array<i32>} : memref<264xf32, #tpu.memory_space<vmem>>, vector<16xf32>,
    %get3A_350 = vector.shape_cast %get3A_349 : vector<16xf32> to vector<16xf32>
    %mul3A_351 = arith.mulf %get3A_334, %get3A_350 : vector<16xf32>
    %add3A_352 = arith.addf %mul3A_347, %mul3A_351 : vector<16xf32>
    %reshape3A_353 = vector.shape_cast %shift_right_logical3A_50 : vector<16xi32> to vector<16x1xi32>
    %gather3A_354 = vector.shape_cast %reshape3A_353 : vector<16x1xi32> to vector<16xi32>
    %gather3A_355 = tpu.dynamic_gather %add3A_352[%gather3A_354] in [0] : vector<16xf32>, vector<16xi32> -> vector<16xf32>
    %reshape3A_356 = vector.shape_cast %shift_right_logical3A_50 : vector<16xi32> to vector<16x1xi32>
    %gather3A_357 = vector.shape_cast %reshape3A_356 : vector<16x1xi32> to vector<16xi32>
    %gather3A_358 = tpu.dynamic_gather %add3A_343[%gather3A_357] in [0] : vector<16xf32>, vector<16xi32> -> vector<16xf32>
    %select_n3A_359 = arith.select %convert_element_type3A_57, %gather3A_355, %gather3A_358 : vector<16xi1>, vector<16xf32>
    %reshape3A_360 = vector.shape_cast %add3A_53 : vector<16xi32> to vector<16x1xi32>
    %gather3A_361 = vector.shape_cast %reshape3A_360 : vector<16x1xi32> to vector<16xi32>
    %gather3A_362 = tpu.dynamic_gather %add3A_352[%gather3A_361] in [0] : vector<16xf32>, vector<16xi32> -> vector<16xf32>
    %reshape3A_363 = vector.shape_cast %add3A_53 : vector<16xi32> to vector<16x1xi32>
    %gather3A_364 = vector.shape_cast %reshape3A_363 : vector<16x1xi32> to vector<16xi32>
    %gather3A_365 = tpu.dynamic_gather %add3A_343[%gather3A_364] in [0] : vector<16xf32>, vector<16xi32> -> vector<16xf32>
    %select_n3A_366 = arith.select %convert_element_type3A_57, %gather3A_362, %gather3A_365 : vector<16xi1>, vector<16xf32>
    %swap3A_367 = arith.constant 192 : index
    %swap3A_368 = tpu.vector_load %arg7[%swap3A_367] {strides = array<i32>} : memref<512xf32, #tpu.memory_space<vmem>>, vector<16xf32>,
    %swap3A_369 = vector.shape_cast %swap3A_368 : vector<16xf32> to vector<16xf32>
    %swap3A_370 = vector.shape_cast %select_n3A_359 : vector<16xf32> to vector<16xf32>
    tpu.vector_store %arg7[%swap3A_367], %swap3A_370 {strides = array<i32>} : memref<512xf32, #tpu.memory_space<vmem>>, vector<16xf32>,
    %swap3A_371 = arith.constant 208 : index
    %swap3A_372 = tpu.vector_load %arg7[%swap3A_371] {strides = array<i32>} : memref<512xf32, #tpu.memory_space<vmem>>, vector<16xf32>,
    %swap3A_373 = vector.shape_cast %swap3A_372 : vector<16xf32> to vector<16xf32>
    %swap3A_374 = vector.shape_cast %select_n3A_366 : vector<16xf32> to vector<16xf32>
    tpu.vector_store %arg7[%swap3A_371], %swap3A_374 {strides = array<i32>} : memref<512xf32, #tpu.memory_space<vmem>>, vector<16xf32>,
    %get3A_375 = arith.constant 112 : index
    %get3A_376 = tpu.vector_load %arg5[%get3A_375] {strides = array<i32>} : memref<264xf32, #tpu.memory_space<vmem>>, vector<16xf32>,
    %get3A_377 = vector.shape_cast %get3A_376 : vector<16xf32> to vector<16xf32>
    %get3A_378 = arith.constant 112 : index
    %get3A_379 = tpu.vector_load %arg6[%get3A_378] {strides = array<i32>} : memref<264xf32, #tpu.memory_space<vmem>>, vector<16xf32>,
    %get3A_380 = vector.shape_cast %get3A_379 : vector<16xf32> to vector<16xf32>
    %get3A_381 = arith.constant 113 : index
    %get3A_382 = tpu.vector_load %arg5[%get3A_381] {strides = array<i32>} : memref<264xf32, #tpu.memory_space<vmem>>, vector<16xf32>,
    %get3A_383 = vector.shape_cast %get3A_382 : vector<16xf32> to vector<16xf32>
    %mul3A_384 = arith.mulf %get3A_377, %get3A_383 : vector<16xf32>
    %get3A_385 = arith.constant 114 : index
    %get3A_386 = tpu.vector_load %arg5[%get3A_385] {strides = array<i32>} : memref<264xf32, #tpu.memory_space<vmem>>, vector<16xf32>,
    %get3A_387 = vector.shape_cast %get3A_386 : vector<16xf32> to vector<16xf32>
    %mul3A_388 = arith.mulf %get3A_380, %get3A_387 : vector<16xf32>
    %add3A_389 = arith.addf %mul3A_384, %mul3A_388 : vector<16xf32>
    %get3A_390 = arith.constant 113 : index
    %get3A_391 = tpu.vector_load %arg6[%get3A_390] {strides = array<i32>} : memref<264xf32, #tpu.memory_space<vmem>>, vector<16xf32>,
    %get3A_392 = vector.shape_cast %get3A_391 : vector<16xf32> to vector<16xf32>
    %mul3A_393 = arith.mulf %get3A_377, %get3A_392 : vector<16xf32>
    %get3A_394 = arith.constant 114 : index
    %get3A_395 = tpu.vector_load %arg6[%get3A_394] {strides = array<i32>} : memref<264xf32, #tpu.memory_space<vmem>>, vector<16xf32>,
    %get3A_396 = vector.shape_cast %get3A_395 : vector<16xf32> to vector<16xf32>
    %mul3A_397 = arith.mulf %get3A_380, %get3A_396 : vector<16xf32>
    %add3A_398 = arith.addf %mul3A_393, %mul3A_397 : vector<16xf32>
    %reshape3A_399 = vector.shape_cast %shift_right_logical3A_50 : vector<16xi32> to vector<16x1xi32>
    %gather3A_400 = vector.shape_cast %reshape3A_399 : vector<16x1xi32> to vector<16xi32>
    %gather3A_401 = tpu.dynamic_gather %add3A_398[%gather3A_400] in [0] : vector<16xf32>, vector<16xi32> -> vector<16xf32>
    %reshape3A_402 = vector.shape_cast %shift_right_logical3A_50 : vector<16xi32> to vector<16x1xi32>
    %gather3A_403 = vector.shape_cast %reshape3A_402 : vector<16x1xi32> to vector<16xi32>
    %gather3A_404 = tpu.dynamic_gather %add3A_389[%gather3A_403] in [0] : vector<16xf32>, vector<16xi32> -> vector<16xf32>
    %select_n3A_405 = arith.select %convert_element_type3A_57, %gather3A_401, %gather3A_404 : vector<16xi1>, vector<16xf32>
    %reshape3A_406 = vector.shape_cast %add3A_53 : vector<16xi32> to vector<16x1xi32>
    %gather3A_407 = vector.shape_cast %reshape3A_406 : vector<16x1xi32> to vector<16xi32>
    %gather3A_408 = tpu.dynamic_gather %add3A_398[%gather3A_407] in [0] : vector<16xf32>, vector<16xi32> -> vector<16xf32>
    %reshape3A_409 = vector.shape_cast %add3A_53 : vector<16xi32> to vector<16x1xi32>
    %gather3A_410 = vector.shape_cast %reshape3A_409 : vector<16x1xi32> to vector<16xi32>
    %gather3A_411 = tpu.dynamic_gather %add3A_389[%gather3A_410] in [0] : vector<16xf32>, vector<16xi32> -> vector<16xf32>
    %select_n3A_412 = arith.select %convert_element_type3A_57, %gather3A_408, %gather3A_411 : vector<16xi1>, vector<16xf32>
    %swap3A_413 = arith.constant 224 : index
    %swap3A_414 = tpu.vector_load %arg7[%swap3A_413] {strides = array<i32>} : memref<512xf32, #tpu.memory_space<vmem>>, vector<16xf32>,
    %swap3A_415 = vector.shape_cast %swap3A_414 : vector<16xf32> to vector<16xf32>
    %swap3A_416 = vector.shape_cast %select_n3A_405 : vector<16xf32> to vector<16xf32>
    tpu.vector_store %arg7[%swap3A_413], %swap3A_416 {strides = array<i32>} : memref<512xf32, #tpu.memory_space<vmem>>, vector<16xf32>,
    %swap3A_417 = arith.constant 240 : index
    %swap3A_418 = tpu.vector_load %arg7[%swap3A_417] {strides = array<i32>} : memref<512xf32, #tpu.memory_space<vmem>>, vector<16xf32>,
    %swap3A_419 = vector.shape_cast %swap3A_418 : vector<16xf32> to vector<16xf32>
    %swap3A_420 = vector.shape_cast %select_n3A_412 : vector<16xf32> to vector<16xf32>
    tpu.vector_store %arg7[%swap3A_417], %swap3A_420 {strides = array<i32>} : memref<512xf32, #tpu.memory_space<vmem>>, vector<16xf32>,
    %get3A_421 = arith.constant 128 : index
    %get3A_422 = tpu.vector_load %arg5[%get3A_421] {strides = array<i32>} : memref<264xf32, #tpu.memory_space<vmem>>, vector<16xf32>,
    %get3A_423 = vector.shape_cast %get3A_422 : vector<16xf32> to vector<16xf32>
    %get3A_424 = arith.constant 128 : index
    %get3A_425 = tpu.vector_load %arg6[%get3A_424] {strides = array<i32>} : memref<264xf32, #tpu.memory_space<vmem>>, vector<16xf32>,
    %get3A_426 = vector.shape_cast %get3A_425 : vector<16xf32> to vector<16xf32>
    %get3A_427 = arith.constant 129 : index
    %get3A_428 = tpu.vector_load %arg5[%get3A_427] {strides = array<i32>} : memref<264xf32, #tpu.memory_space<vmem>>, vector<16xf32>,
    %get3A_429 = vector.shape_cast %get3A_428 : vector<16xf32> to vector<16xf32>
    %mul3A_430 = arith.mulf %get3A_423, %get3A_429 : vector<16xf32>
    %get3A_431 = arith.constant 130 : index
    %get3A_432 = tpu.vector_load %arg5[%get3A_431] {strides = array<i32>} : memref<264xf32, #tpu.memory_space<vmem>>, vector<16xf32>,
    %get3A_433 = vector.shape_cast %get3A_432 : vector<16xf32> to vector<16xf32>
    %mul3A_434 = arith.mulf %get3A_426, %get3A_433 : vector<16xf32>
    %add3A_435 = arith.addf %mul3A_430, %mul3A_434 : vector<16xf32>
    %get3A_436 = arith.constant 129 : index
    %get3A_437 = tpu.vector_load %arg6[%get3A_436] {strides = array<i32>} : memref<264xf32, #tpu.memory_space<vmem>>, vector<16xf32>,
    %get3A_438 = vector.shape_cast %get3A_437 : vector<16xf32> to vector<16xf32>
    %mul3A_439 = arith.mulf %get3A_423, %get3A_438 : vector<16xf32>
    %get3A_440 = arith.constant 130 : index
    %get3A_441 = tpu.vector_load %arg6[%get3A_440] {strides = array<i32>} : memref<264xf32, #tpu.memory_space<vmem>>, vector<16xf32>,
    %get3A_442 = vector.shape_cast %get3A_441 : vector<16xf32> to vector<16xf32>
    %mul3A_443 = arith.mulf %get3A_426, %get3A_442 : vector<16xf32>
    %add3A_444 = arith.addf %mul3A_439, %mul3A_443 : vector<16xf32>
    %reshape3A_445 = vector.shape_cast %shift_right_logical3A_50 : vector<16xi32> to vector<16x1xi32>
    %gather3A_446 = vector.shape_cast %reshape3A_445 : vector<16x1xi32> to vector<16xi32>
    %gather3A_447 = tpu.dynamic_gather %add3A_444[%gather3A_446] in [0] : vector<16xf32>, vector<16xi32> -> vector<16xf32>
    %reshape3A_448 = vector.shape_cast %shift_right_logical3A_50 : vector<16xi32> to vector<16x1xi32>
    %gather3A_449 = vector.shape_cast %reshape3A_448 : vector<16x1xi32> to vector<16xi32>
    %gather3A_450 = tpu.dynamic_gather %add3A_435[%gather3A_449] in [0] : vector<16xf32>, vector<16xi32> -> vector<16xf32>
    %select_n3A_451 = arith.select %convert_element_type3A_57, %gather3A_447, %gather3A_450 : vector<16xi1>, vector<16xf32>
    %reshape3A_452 = vector.shape_cast %add3A_53 : vector<16xi32> to vector<16x1xi32>
    %gather3A_453 = vector.shape_cast %reshape3A_452 : vector<16x1xi32> to vector<16xi32>
    %gather3A_454 = tpu.dynamic_gather %add3A_444[%gather3A_453] in [0] : vector<16xf32>, vector<16xi32> -> vector<16xf32>
    %reshape3A_455 = vector.shape_cast %add3A_53 : vector<16xi32> to vector<16x1xi32>
    %gather3A_456 = vector.shape_cast %reshape3A_455 : vector<16x1xi32> to vector<16xi32>
    %gather3A_457 = tpu.dynamic_gather %add3A_435[%gather3A_456] in [0] : vector<16xf32>, vector<16xi32> -> vector<16xf32>
    %select_n3A_458 = arith.select %convert_element_type3A_57, %gather3A_454, %gather3A_457 : vector<16xi1>, vector<16xf32>
    %swap3A_459 = arith.constant 256 : index
    %swap3A_460 = tpu.vector_load %arg7[%swap3A_459] {strides = array<i32>} : memref<512xf32, #tpu.memory_space<vmem>>, vector<16xf32>,
    %swap3A_461 = vector.shape_cast %swap3A_460 : vector<16xf32> to vector<16xf32>
    %swap3A_462 = vector.shape_cast %select_n3A_451 : vector<16xf32> to vector<16xf32>
    tpu.vector_store %arg7[%swap3A_459], %swap3A_462 {strides = array<i32>} : memref<512xf32, #tpu.memory_space<vmem>>, vector<16xf32>,
    %swap3A_463 = arith.constant 272 : index
    %swap3A_464 = tpu.vector_load %arg7[%swap3A_463] {strides = array<i32>} : memref<512xf32, #tpu.memory_space<vmem>>, vector<16xf32>,
    %swap3A_465 = vector.shape_cast %swap3A_464 : vector<16xf32> to vector<16xf32>
    %swap3A_466 = vector.shape_cast %select_n3A_458 : vector<16xf32> to vector<16xf32>
    tpu.vector_store %arg7[%swap3A_463], %swap3A_466 {strides = array<i32>} : memref<512xf32, #tpu.memory_space<vmem>>, vector<16xf32>,
    %get3A_467 = arith.constant 144 : index
    %get3A_468 = tpu.vector_load %arg5[%get3A_467] {strides = array<i32>} : memref<264xf32, #tpu.memory_space<vmem>>, vector<16xf32>,
    %get3A_469 = vector.shape_cast %get3A_468 : vector<16xf32> to vector<16xf32>
    %get3A_470 = arith.constant 144 : index
    %get3A_471 = tpu.vector_load %arg6[%get3A_470] {strides = array<i32>} : memref<264xf32, #tpu.memory_space<vmem>>, vector<16xf32>,
    %get3A_472 = vector.shape_cast %get3A_471 : vector<16xf32> to vector<16xf32>
    %get3A_473 = arith.constant 145 : index
    %get3A_474 = tpu.vector_load %arg5[%get3A_473] {strides = array<i32>} : memref<264xf32, #tpu.memory_space<vmem>>, vector<16xf32>,
    %get3A_475 = vector.shape_cast %get3A_474 : vector<16xf32> to vector<16xf32>
    %mul3A_476 = arith.mulf %get3A_469, %get3A_475 : vector<16xf32>
    %get3A_477 = arith.constant 146 : index
    %get3A_478 = tpu.vector_load %arg5[%get3A_477] {strides = array<i32>} : memref<264xf32, #tpu.memory_space<vmem>>, vector<16xf32>,
    %get3A_479 = vector.shape_cast %get3A_478 : vector<16xf32> to vector<16xf32>
    %mul3A_480 = arith.mulf %get3A_472, %get3A_479 : vector<16xf32>
    %add3A_481 = arith.addf %mul3A_476, %mul3A_480 : vector<16xf32>
    %get3A_482 = arith.constant 145 : index
    %get3A_483 = tpu.vector_load %arg6[%get3A_482] {strides = array<i32>} : memref<264xf32, #tpu.memory_space<vmem>>, vector<16xf32>,
    %get3A_484 = vector.shape_cast %get3A_483 : vector<16xf32> to vector<16xf32>
    %mul3A_485 = arith.mulf %get3A_469, %get3A_484 : vector<16xf32>
    %get3A_486 = arith.constant 146 : index
    %get3A_487 = tpu.vector_load %arg6[%get3A_486] {strides = array<i32>} : memref<264xf32, #tpu.memory_space<vmem>>, vector<16xf32>,
    %get3A_488 = vector.shape_cast %get3A_487 : vector<16xf32> to vector<16xf32>
    %mul3A_489 = arith.mulf %get3A_472, %get3A_488 : vector<16xf32>
    %add3A_490 = arith.addf %mul3A_485, %mul3A_489 : vector<16xf32>
    %reshape3A_491 = vector.shape_cast %shift_right_logical3A_50 : vector<16xi32> to vector<16x1xi32>
    %gather3A_492 = vector.shape_cast %reshape3A_491 : vector<16x1xi32> to vector<16xi32>
    %gather3A_493 = tpu.dynamic_gather %add3A_490[%gather3A_492] in [0] : vector<16xf32>, vector<16xi32> -> vector<16xf32>
    %reshape3A_494 = vector.shape_cast %shift_right_logical3A_50 : vector<16xi32> to vector<16x1xi32>
    %gather3A_495 = vector.shape_cast %reshape3A_494 : vector<16x1xi32> to vector<16xi32>
    %gather3A_496 = tpu.dynamic_gather %add3A_481[%gather3A_495] in [0] : vector<16xf32>, vector<16xi32> -> vector<16xf32>
    %select_n3A_497 = arith.select %convert_element_type3A_57, %gather3A_493, %gather3A_496 : vector<16xi1>, vector<16xf32>
    %reshape3A_498 = vector.shape_cast %add3A_53 : vector<16xi32> to vector<16x1xi32>
    %gather3A_499 = vector.shape_cast %reshape3A_498 : vector<16x1xi32> to vector<16xi32>
    %gather3A_500 = tpu.dynamic_gather %add3A_490[%gather3A_499] in [0] : vector<16xf32>, vector<16xi32> -> vector<16xf32>
    %reshape3A_501 = vector.shape_cast %add3A_53 : vector<16xi32> to vector<16x1xi32>
    %gather3A_502 = vector.shape_cast %reshape3A_501 : vector<16x1xi32> to vector<16xi32>
    %gather3A_503 = tpu.dynamic_gather %add3A_481[%gather3A_502] in [0] : vector<16xf32>, vector<16xi32> -> vector<16xf32>
    %select_n3A_504 = arith.select %convert_element_type3A_57, %gather3A_500, %gather3A_503 : vector<16xi1>, vector<16xf32>
    %swap3A_505 = arith.constant 288 : index
    %swap3A_506 = tpu.vector_load %arg7[%swap3A_505] {strides = array<i32>} : memref<512xf32, #tpu.memory_space<vmem>>, vector<16xf32>,
    %swap3A_507 = vector.shape_cast %swap3A_506 : vector<16xf32> to vector<16xf32>
    %swap3A_508 = vector.shape_cast %select_n3A_497 : vector<16xf32> to vector<16xf32>
    tpu.vector_store %arg7[%swap3A_505], %swap3A_508 {strides = array<i32>} : memref<512xf32, #tpu.memory_space<vmem>>, vector<16xf32>,
    %swap3A_509 = arith.constant 304 : index
    %swap3A_510 = tpu.vector_load %arg7[%swap3A_509] {strides = array<i32>} : memref<512xf32, #tpu.memory_space<vmem>>, vector<16xf32>,
    %swap3A_511 = vector.shape_cast %swap3A_510 : vector<16xf32> to vector<16xf32>
    %swap3A_512 = vector.shape_cast %select_n3A_504 : vector<16xf32> to vector<16xf32>
    tpu.vector_store %arg7[%swap3A_509], %swap3A_512 {strides = array<i32>} : memref<512xf32, #tpu.memory_space<vmem>>, vector<16xf32>,
    %get3A_513 = arith.constant 160 : index
    %get3A_514 = tpu.vector_load %arg5[%get3A_513] {strides = array<i32>} : memref<264xf32, #tpu.memory_space<vmem>>, vector<16xf32>,
    %get3A_515 = vector.shape_cast %get3A_514 : vector<16xf32> to vector<16xf32>
    %get3A_516 = arith.constant 160 : index
    %get3A_517 = tpu.vector_load %arg6[%get3A_516] {strides = array<i32>} : memref<264xf32, #tpu.memory_space<vmem>>, vector<16xf32>,
    %get3A_518 = vector.shape_cast %get3A_517 : vector<16xf32> to vector<16xf32>
    %get3A_519 = arith.constant 161 : index
    %get3A_520 = tpu.vector_load %arg5[%get3A_519] {strides = array<i32>} : memref<264xf32, #tpu.memory_space<vmem>>, vector<16xf32>,
    %get3A_521 = vector.shape_cast %get3A_520 : vector<16xf32> to vector<16xf32>
    %mul3A_522 = arith.mulf %get3A_515, %get3A_521 : vector<16xf32>
    %get3A_523 = arith.constant 162 : index
    %get3A_524 = tpu.vector_load %arg5[%get3A_523] {strides = array<i32>} : memref<264xf32, #tpu.memory_space<vmem>>, vector<16xf32>,
    %get3A_525 = vector.shape_cast %get3A_524 : vector<16xf32> to vector<16xf32>
    %mul3A_526 = arith.mulf %get3A_518, %get3A_525 : vector<16xf32>
    %add3A_527 = arith.addf %mul3A_522, %mul3A_526 : vector<16xf32>
    %get3A_528 = arith.constant 161 : index
    %get3A_529 = tpu.vector_load %arg6[%get3A_528] {strides = array<i32>} : memref<264xf32, #tpu.memory_space<vmem>>, vector<16xf32>,
    %get3A_530 = vector.shape_cast %get3A_529 : vector<16xf32> to vector<16xf32>
    %mul3A_531 = arith.mulf %get3A_515, %get3A_530 : vector<16xf32>
    %get3A_532 = arith.constant 162 : index
    %get3A_533 = tpu.vector_load %arg6[%get3A_532] {strides = array<i32>} : memref<264xf32, #tpu.memory_space<vmem>>, vector<16xf32>,
    %get3A_534 = vector.shape_cast %get3A_533 : vector<16xf32> to vector<16xf32>
    %mul3A_535 = arith.mulf %get3A_518, %get3A_534 : vector<16xf32>
    %add3A_536 = arith.addf %mul3A_531, %mul3A_535 : vector<16xf32>
    %reshape3A_537 = vector.shape_cast %shift_right_logical3A_50 : vector<16xi32> to vector<16x1xi32>
    %gather3A_538 = vector.shape_cast %reshape3A_537 : vector<16x1xi32> to vector<16xi32>
    %gather3A_539 = tpu.dynamic_gather %add3A_536[%gather3A_538] in [0] : vector<16xf32>, vector<16xi32> -> vector<16xf32>
    %reshape3A_540 = vector.shape_cast %shift_right_logical3A_50 : vector<16xi32> to vector<16x1xi32>
    %gather3A_541 = vector.shape_cast %reshape3A_540 : vector<16x1xi32> to vector<16xi32>
    %gather3A_542 = tpu.dynamic_gather %add3A_527[%gather3A_541] in [0] : vector<16xf32>, vector<16xi32> -> vector<16xf32>
    %select_n3A_543 = arith.select %convert_element_type3A_57, %gather3A_539, %gather3A_542 : vector<16xi1>, vector<16xf32>
    %reshape3A_544 = vector.shape_cast %add3A_53 : vector<16xi32> to vector<16x1xi32>
    %gather3A_545 = vector.shape_cast %reshape3A_544 : vector<16x1xi32> to vector<16xi32>
    %gather3A_546 = tpu.dynamic_gather %add3A_536[%gather3A_545] in [0] : vector<16xf32>, vector<16xi32> -> vector<16xf32>
    %reshape3A_547 = vector.shape_cast %add3A_53 : vector<16xi32> to vector<16x1xi32>
    %gather3A_548 = vector.shape_cast %reshape3A_547 : vector<16x1xi32> to vector<16xi32>
    %gather3A_549 = tpu.dynamic_gather %add3A_527[%gather3A_548] in [0] : vector<16xf32>, vector<16xi32> -> vector<16xf32>
    %select_n3A_550 = arith.select %convert_element_type3A_57, %gather3A_546, %gather3A_549 : vector<16xi1>, vector<16xf32>
    %swap3A_551 = arith.constant 320 : index
    %swap3A_552 = tpu.vector_load %arg7[%swap3A_551] {strides = array<i32>} : memref<512xf32, #tpu.memory_space<vmem>>, vector<16xf32>,
    %swap3A_553 = vector.shape_cast %swap3A_552 : vector<16xf32> to vector<16xf32>
    %swap3A_554 = vector.shape_cast %select_n3A_543 : vector<16xf32> to vector<16xf32>
    tpu.vector_store %arg7[%swap3A_551], %swap3A_554 {strides = array<i32>} : memref<512xf32, #tpu.memory_space<vmem>>, vector<16xf32>,
    %swap3A_555 = arith.constant 336 : index
    %swap3A_556 = tpu.vector_load %arg7[%swap3A_555] {strides = array<i32>} : memref<512xf32, #tpu.memory_space<vmem>>, vector<16xf32>,
    %swap3A_557 = vector.shape_cast %swap3A_556 : vector<16xf32> to vector<16xf32>
    %swap3A_558 = vector.shape_cast %select_n3A_550 : vector<16xf32> to vector<16xf32>
    tpu.vector_store %arg7[%swap3A_555], %swap3A_558 {strides = array<i32>} : memref<512xf32, #tpu.memory_space<vmem>>, vector<16xf32>,
    %get3A_559 = arith.constant 176 : index
    %get3A_560 = tpu.vector_load %arg5[%get3A_559] {strides = array<i32>} : memref<264xf32, #tpu.memory_space<vmem>>, vector<16xf32>,
    %get3A_561 = vector.shape_cast %get3A_560 : vector<16xf32> to vector<16xf32>
    %get3A_562 = arith.constant 176 : index
    %get3A_563 = tpu.vector_load %arg6[%get3A_562] {strides = array<i32>} : memref<264xf32, #tpu.memory_space<vmem>>, vector<16xf32>,
    %get3A_564 = vector.shape_cast %get3A_563 : vector<16xf32> to vector<16xf32>
    %get3A_565 = arith.constant 177 : index
    %get3A_566 = tpu.vector_load %arg5[%get3A_565] {strides = array<i32>} : memref<264xf32, #tpu.memory_space<vmem>>, vector<16xf32>,
    %get3A_567 = vector.shape_cast %get3A_566 : vector<16xf32> to vector<16xf32>
    %mul3A_568 = arith.mulf %get3A_561, %get3A_567 : vector<16xf32>
    %get3A_569 = arith.constant 178 : index
    %get3A_570 = tpu.vector_load %arg5[%get3A_569] {strides = array<i32>} : memref<264xf32, #tpu.memory_space<vmem>>, vector<16xf32>,
    %get3A_571 = vector.shape_cast %get3A_570 : vector<16xf32> to vector<16xf32>
    %mul3A_572 = arith.mulf %get3A_564, %get3A_571 : vector<16xf32>
    %add3A_573 = arith.addf %mul3A_568, %mul3A_572 : vector<16xf32>
    %get3A_574 = arith.constant 177 : index
    %get3A_575 = tpu.vector_load %arg6[%get3A_574] {strides = array<i32>} : memref<264xf32, #tpu.memory_space<vmem>>, vector<16xf32>,
    %get3A_576 = vector.shape_cast %get3A_575 : vector<16xf32> to vector<16xf32>
    %mul3A_577 = arith.mulf %get3A_561, %get3A_576 : vector<16xf32>
    %get3A_578 = arith.constant 178 : index
    %get3A_579 = tpu.vector_load %arg6[%get3A_578] {strides = array<i32>} : memref<264xf32, #tpu.memory_space<vmem>>, vector<16xf32>,
    %get3A_580 = vector.shape_cast %get3A_579 : vector<16xf32> to vector<16xf32>
    %mul3A_581 = arith.mulf %get3A_564, %get3A_580 : vector<16xf32>
    %add3A_582 = arith.addf %mul3A_577, %mul3A_581 : vector<16xf32>
    %reshape3A_583 = vector.shape_cast %shift_right_logical3A_50 : vector<16xi32> to vector<16x1xi32>
    %gather3A_584 = vector.shape_cast %reshape3A_583 : vector<16x1xi32> to vector<16xi32>
    %gather3A_585 = tpu.dynamic_gather %add3A_582[%gather3A_584] in [0] : vector<16xf32>, vector<16xi32> -> vector<16xf32>
    %reshape3A_586 = vector.shape_cast %shift_right_logical3A_50 : vector<16xi32> to vector<16x1xi32>
    %gather3A_587 = vector.shape_cast %reshape3A_586 : vector<16x1xi32> to vector<16xi32>
    %gather3A_588 = tpu.dynamic_gather %add3A_573[%gather3A_587] in [0] : vector<16xf32>, vector<16xi32> -> vector<16xf32>
    %select_n3A_589 = arith.select %convert_element_type3A_57, %gather3A_585, %gather3A_588 : vector<16xi1>, vector<16xf32>
    %reshape3A_590 = vector.shape_cast %add3A_53 : vector<16xi32> to vector<16x1xi32>
    %gather3A_591 = vector.shape_cast %reshape3A_590 : vector<16x1xi32> to vector<16xi32>
    %gather3A_592 = tpu.dynamic_gather %add3A_582[%gather3A_591] in [0] : vector<16xf32>, vector<16xi32> -> vector<16xf32>
    %reshape3A_593 = vector.shape_cast %add3A_53 : vector<16xi32> to vector<16x1xi32>
    %gather3A_594 = vector.shape_cast %reshape3A_593 : vector<16x1xi32> to vector<16xi32>
    %gather3A_595 = tpu.dynamic_gather %add3A_573[%gather3A_594] in [0] : vector<16xf32>, vector<16xi32> -> vector<16xf32>
    %select_n3A_596 = arith.select %convert_element_type3A_57, %gather3A_592, %gather3A_595 : vector<16xi1>, vector<16xf32>
    %swap3A_597 = arith.constant 352 : index
    %swap3A_598 = tpu.vector_load %arg7[%swap3A_597] {strides = array<i32>} : memref<512xf32, #tpu.memory_space<vmem>>, vector<16xf32>,
    %swap3A_599 = vector.shape_cast %swap3A_598 : vector<16xf32> to vector<16xf32>
    %swap3A_600 = vector.shape_cast %select_n3A_589 : vector<16xf32> to vector<16xf32>
    tpu.vector_store %arg7[%swap3A_597], %swap3A_600 {strides = array<i32>} : memref<512xf32, #tpu.memory_space<vmem>>, vector<16xf32>,
    %swap3A_601 = arith.constant 368 : index
    %swap3A_602 = tpu.vector_load %arg7[%swap3A_601] {strides = array<i32>} : memref<512xf32, #tpu.memory_space<vmem>>, vector<16xf32>,
    %swap3A_603 = vector.shape_cast %swap3A_602 : vector<16xf32> to vector<16xf32>
    %swap3A_604 = vector.shape_cast %select_n3A_596 : vector<16xf32> to vector<16xf32>
    tpu.vector_store %arg7[%swap3A_601], %swap3A_604 {strides = array<i32>} : memref<512xf32, #tpu.memory_space<vmem>>, vector<16xf32>,
    %get3A_605 = arith.constant 192 : index
    %get3A_606 = tpu.vector_load %arg5[%get3A_605] {strides = array<i32>} : memref<264xf32, #tpu.memory_space<vmem>>, vector<16xf32>,
    %get3A_607 = vector.shape_cast %get3A_606 : vector<16xf32> to vector<16xf32>
    %get3A_608 = arith.constant 192 : index
    %get3A_609 = tpu.vector_load %arg6[%get3A_608] {strides = array<i32>} : memref<264xf32, #tpu.memory_space<vmem>>, vector<16xf32>,
    %get3A_610 = vector.shape_cast %get3A_609 : vector<16xf32> to vector<16xf32>
    %get3A_611 = arith.constant 193 : index
    %get3A_612 = tpu.vector_load %arg5[%get3A_611] {strides = array<i32>} : memref<264xf32, #tpu.memory_space<vmem>>, vector<16xf32>,
    %get3A_613 = vector.shape_cast %get3A_612 : vector<16xf32> to vector<16xf32>
    %mul3A_614 = arith.mulf %get3A_607, %get3A_613 : vector<16xf32>
    %get3A_615 = arith.constant 194 : index
    %get3A_616 = tpu.vector_load %arg5[%get3A_615] {strides = array<i32>} : memref<264xf32, #tpu.memory_space<vmem>>, vector<16xf32>,
    %get3A_617 = vector.shape_cast %get3A_616 : vector<16xf32> to vector<16xf32>
    %mul3A_618 = arith.mulf %get3A_610, %get3A_617 : vector<16xf32>
    %add3A_619 = arith.addf %mul3A_614, %mul3A_618 : vector<16xf32>
    %get3A_620 = arith.constant 193 : index
    %get3A_621 = tpu.vector_load %arg6[%get3A_620] {strides = array<i32>} : memref<264xf32, #tpu.memory_space<vmem>>, vector<16xf32>,
    %get3A_622 = vector.shape_cast %get3A_621 : vector<16xf32> to vector<16xf32>
    %mul3A_623 = arith.mulf %get3A_607, %get3A_622 : vector<16xf32>
    %get3A_624 = arith.constant 194 : index
    %get3A_625 = tpu.vector_load %arg6[%get3A_624] {strides = array<i32>} : memref<264xf32, #tpu.memory_space<vmem>>, vector<16xf32>,
    %get3A_626 = vector.shape_cast %get3A_625 : vector<16xf32> to vector<16xf32>
    %mul3A_627 = arith.mulf %get3A_610, %get3A_626 : vector<16xf32>
    %add3A_628 = arith.addf %mul3A_623, %mul3A_627 : vector<16xf32>
    %reshape3A_629 = vector.shape_cast %shift_right_logical3A_50 : vector<16xi32> to vector<16x1xi32>
    %gather3A_630 = vector.shape_cast %reshape3A_629 : vector<16x1xi32> to vector<16xi32>
    %gather3A_631 = tpu.dynamic_gather %add3A_628[%gather3A_630] in [0] : vector<16xf32>, vector<16xi32> -> vector<16xf32>
    %reshape3A_632 = vector.shape_cast %shift_right_logical3A_50 : vector<16xi32> to vector<16x1xi32>
    %gather3A_633 = vector.shape_cast %reshape3A_632 : vector<16x1xi32> to vector<16xi32>
    %gather3A_634 = tpu.dynamic_gather %add3A_619[%gather3A_633] in [0] : vector<16xf32>, vector<16xi32> -> vector<16xf32>
    %select_n3A_635 = arith.select %convert_element_type3A_57, %gather3A_631, %gather3A_634 : vector<16xi1>, vector<16xf32>
    %reshape3A_636 = vector.shape_cast %add3A_53 : vector<16xi32> to vector<16x1xi32>
    %gather3A_637 = vector.shape_cast %reshape3A_636 : vector<16x1xi32> to vector<16xi32>
    %gather3A_638 = tpu.dynamic_gather %add3A_628[%gather3A_637] in [0] : vector<16xf32>, vector<16xi32> -> vector<16xf32>
    %reshape3A_639 = vector.shape_cast %add3A_53 : vector<16xi32> to vector<16x1xi32>
    %gather3A_640 = vector.shape_cast %reshape3A_639 : vector<16x1xi32> to vector<16xi32>
    %gather3A_641 = tpu.dynamic_gather %add3A_619[%gather3A_640] in [0] : vector<16xf32>, vector<16xi32> -> vector<16xf32>
    %select_n3A_642 = arith.select %convert_element_type3A_57, %gather3A_638, %gather3A_641 : vector<16xi1>, vector<16xf32>
    %swap3A_643 = arith.constant 384 : index
    %swap3A_644 = tpu.vector_load %arg7[%swap3A_643] {strides = array<i32>} : memref<512xf32, #tpu.memory_space<vmem>>, vector<16xf32>,
    %swap3A_645 = vector.shape_cast %swap3A_644 : vector<16xf32> to vector<16xf32>
    %swap3A_646 = vector.shape_cast %select_n3A_635 : vector<16xf32> to vector<16xf32>
    tpu.vector_store %arg7[%swap3A_643], %swap3A_646 {strides = array<i32>} : memref<512xf32, #tpu.memory_space<vmem>>, vector<16xf32>,
    %swap3A_647 = arith.constant 400 : index
    %swap3A_648 = tpu.vector_load %arg7[%swap3A_647] {strides = array<i32>} : memref<512xf32, #tpu.memory_space<vmem>>, vector<16xf32>,
    %swap3A_649 = vector.shape_cast %swap3A_648 : vector<16xf32> to vector<16xf32>
    %swap3A_650 = vector.shape_cast %select_n3A_642 : vector<16xf32> to vector<16xf32>
    tpu.vector_store %arg7[%swap3A_647], %swap3A_650 {strides = array<i32>} : memref<512xf32, #tpu.memory_space<vmem>>, vector<16xf32>,
    %get3A_651 = arith.constant 208 : index
    %get3A_652 = tpu.vector_load %arg5[%get3A_651] {strides = array<i32>} : memref<264xf32, #tpu.memory_space<vmem>>, vector<16xf32>,
    %get3A_653 = vector.shape_cast %get3A_652 : vector<16xf32> to vector<16xf32>
    %get3A_654 = arith.constant 208 : index
    %get3A_655 = tpu.vector_load %arg6[%get3A_654] {strides = array<i32>} : memref<264xf32, #tpu.memory_space<vmem>>, vector<16xf32>,
    %get3A_656 = vector.shape_cast %get3A_655 : vector<16xf32> to vector<16xf32>
    %get3A_657 = arith.constant 209 : index
    %get3A_658 = tpu.vector_load %arg5[%get3A_657] {strides = array<i32>} : memref<264xf32, #tpu.memory_space<vmem>>, vector<16xf32>,
    %get3A_659 = vector.shape_cast %get3A_658 : vector<16xf32> to vector<16xf32>
    %mul3A_660 = arith.mulf %get3A_653, %get3A_659 : vector<16xf32>
    %get3A_661 = arith.constant 210 : index
    %get3A_662 = tpu.vector_load %arg5[%get3A_661] {strides = array<i32>} : memref<264xf32, #tpu.memory_space<vmem>>, vector<16xf32>,
    %get3A_663 = vector.shape_cast %get3A_662 : vector<16xf32> to vector<16xf32>
    %mul3A_664 = arith.mulf %get3A_656, %get3A_663 : vector<16xf32>
    %add3A_665 = arith.addf %mul3A_660, %mul3A_664 : vector<16xf32>
    %get3A_666 = arith.constant 209 : index
    %get3A_667 = tpu.vector_load %arg6[%get3A_666] {strides = array<i32>} : memref<264xf32, #tpu.memory_space<vmem>>, vector<16xf32>,
    %get3A_668 = vector.shape_cast %get3A_667 : vector<16xf32> to vector<16xf32>
    %mul3A_669 = arith.mulf %get3A_653, %get3A_668 : vector<16xf32>
    %get3A_670 = arith.constant 210 : index
    %get3A_671 = tpu.vector_load %arg6[%get3A_670] {strides = array<i32>} : memref<264xf32, #tpu.memory_space<vmem>>, vector<16xf32>,
    %get3A_672 = vector.shape_cast %get3A_671 : vector<16xf32> to vector<16xf32>
    %mul3A_673 = arith.mulf %get3A_656, %get3A_672 : vector<16xf32>
    %add3A_674 = arith.addf %mul3A_669, %mul3A_673 : vector<16xf32>
    %reshape3A_675 = vector.shape_cast %shift_right_logical3A_50 : vector<16xi32> to vector<16x1xi32>
    %gather3A_676 = vector.shape_cast %reshape3A_675 : vector<16x1xi32> to vector<16xi32>
    %gather3A_677 = tpu.dynamic_gather %add3A_674[%gather3A_676] in [0] : vector<16xf32>, vector<16xi32> -> vector<16xf32>
    %reshape3A_678 = vector.shape_cast %shift_right_logical3A_50 : vector<16xi32> to vector<16x1xi32>
    %gather3A_679 = vector.shape_cast %reshape3A_678 : vector<16x1xi32> to vector<16xi32>
    %gather3A_680 = tpu.dynamic_gather %add3A_665[%gather3A_679] in [0] : vector<16xf32>, vector<16xi32> -> vector<16xf32>
    %select_n3A_681 = arith.select %convert_element_type3A_57, %gather3A_677, %gather3A_680 : vector<16xi1>, vector<16xf32>
    %reshape3A_682 = vector.shape_cast %add3A_53 : vector<16xi32> to vector<16x1xi32>
    %gather3A_683 = vector.shape_cast %reshape3A_682 : vector<16x1xi32> to vector<16xi32>
    %gather3A_684 = tpu.dynamic_gather %add3A_674[%gather3A_683] in [0] : vector<16xf32>, vector<16xi32> -> vector<16xf32>
    %reshape3A_685 = vector.shape_cast %add3A_53 : vector<16xi32> to vector<16x1xi32>
    %gather3A_686 = vector.shape_cast %reshape3A_685 : vector<16x1xi32> to vector<16xi32>
    %gather3A_687 = tpu.dynamic_gather %add3A_665[%gather3A_686] in [0] : vector<16xf32>, vector<16xi32> -> vector<16xf32>
    %select_n3A_688 = arith.select %convert_element_type3A_57, %gather3A_684, %gather3A_687 : vector<16xi1>, vector<16xf32>
    %swap3A_689 = arith.constant 416 : index
    %swap3A_690 = tpu.vector_load %arg7[%swap3A_689] {strides = array<i32>} : memref<512xf32, #tpu.memory_space<vmem>>, vector<16xf32>,
    %swap3A_691 = vector.shape_cast %swap3A_690 : vector<16xf32> to vector<16xf32>
    %swap3A_692 = vector.shape_cast %select_n3A_681 : vector<16xf32> to vector<16xf32>
    tpu.vector_store %arg7[%swap3A_689], %swap3A_692 {strides = array<i32>} : memref<512xf32, #tpu.memory_space<vmem>>, vector<16xf32>,
    %swap3A_693 = arith.constant 432 : index
    %swap3A_694 = tpu.vector_load %arg7[%swap3A_693] {strides = array<i32>} : memref<512xf32, #tpu.memory_space<vmem>>, vector<16xf32>,
    %swap3A_695 = vector.shape_cast %swap3A_694 : vector<16xf32> to vector<16xf32>
    %swap3A_696 = vector.shape_cast %select_n3A_688 : vector<16xf32> to vector<16xf32>
    tpu.vector_store %arg7[%swap3A_693], %swap3A_696 {strides = array<i32>} : memref<512xf32, #tpu.memory_space<vmem>>, vector<16xf32>,
    %get3A_697 = arith.constant 224 : index
    %get3A_698 = tpu.vector_load %arg5[%get3A_697] {strides = array<i32>} : memref<264xf32, #tpu.memory_space<vmem>>, vector<16xf32>,
    %get3A_699 = vector.shape_cast %get3A_698 : vector<16xf32> to vector<16xf32>
    %get3A_700 = arith.constant 224 : index
    %get3A_701 = tpu.vector_load %arg6[%get3A_700] {strides = array<i32>} : memref<264xf32, #tpu.memory_space<vmem>>, vector<16xf32>,
    %get3A_702 = vector.shape_cast %get3A_701 : vector<16xf32> to vector<16xf32>
    %get3A_703 = arith.constant 225 : index
    %get3A_704 = tpu.vector_load %arg5[%get3A_703] {strides = array<i32>} : memref<264xf32, #tpu.memory_space<vmem>>, vector<16xf32>,
    %get3A_705 = vector.shape_cast %get3A_704 : vector<16xf32> to vector<16xf32>
    %mul3A_706 = arith.mulf %get3A_699, %get3A_705 : vector<16xf32>
    %get3A_707 = arith.constant 226 : index
    %get3A_708 = tpu.vector_load %arg5[%get3A_707] {strides = array<i32>} : memref<264xf32, #tpu.memory_space<vmem>>, vector<16xf32>,
    %get3A_709 = vector.shape_cast %get3A_708 : vector<16xf32> to vector<16xf32>
    %mul3A_710 = arith.mulf %get3A_702, %get3A_709 : vector<16xf32>
    %add3A_711 = arith.addf %mul3A_706, %mul3A_710 : vector<16xf32>
    %get3A_712 = arith.constant 225 : index
    %get3A_713 = tpu.vector_load %arg6[%get3A_712] {strides = array<i32>} : memref<264xf32, #tpu.memory_space<vmem>>, vector<16xf32>,
    %get3A_714 = vector.shape_cast %get3A_713 : vector<16xf32> to vector<16xf32>
    %mul3A_715 = arith.mulf %get3A_699, %get3A_714 : vector<16xf32>
    %get3A_716 = arith.constant 226 : index
    %get3A_717 = tpu.vector_load %arg6[%get3A_716] {strides = array<i32>} : memref<264xf32, #tpu.memory_space<vmem>>, vector<16xf32>,
    %get3A_718 = vector.shape_cast %get3A_717 : vector<16xf32> to vector<16xf32>
    %mul3A_719 = arith.mulf %get3A_702, %get3A_718 : vector<16xf32>
    %add3A_720 = arith.addf %mul3A_715, %mul3A_719 : vector<16xf32>
    %reshape3A_721 = vector.shape_cast %shift_right_logical3A_50 : vector<16xi32> to vector<16x1xi32>
    %gather3A_722 = vector.shape_cast %reshape3A_721 : vector<16x1xi32> to vector<16xi32>
    %gather3A_723 = tpu.dynamic_gather %add3A_720[%gather3A_722] in [0] : vector<16xf32>, vector<16xi32> -> vector<16xf32>
    %reshape3A_724 = vector.shape_cast %shift_right_logical3A_50 : vector<16xi32> to vector<16x1xi32>
    %gather3A_725 = vector.shape_cast %reshape3A_724 : vector<16x1xi32> to vector<16xi32>
    %gather3A_726 = tpu.dynamic_gather %add3A_711[%gather3A_725] in [0] : vector<16xf32>, vector<16xi32> -> vector<16xf32>
    %select_n3A_727 = arith.select %convert_element_type3A_57, %gather3A_723, %gather3A_726 : vector<16xi1>, vector<16xf32>
    %reshape3A_728 = vector.shape_cast %add3A_53 : vector<16xi32> to vector<16x1xi32>
    %gather3A_729 = vector.shape_cast %reshape3A_728 : vector<16x1xi32> to vector<16xi32>
    %gather3A_730 = tpu.dynamic_gather %add3A_720[%gather3A_729] in [0] : vector<16xf32>, vector<16xi32> -> vector<16xf32>
    %reshape3A_731 = vector.shape_cast %add3A_53 : vector<16xi32> to vector<16x1xi32>
    %gather3A_732 = vector.shape_cast %reshape3A_731 : vector<16x1xi32> to vector<16xi32>
    %gather3A_733 = tpu.dynamic_gather %add3A_711[%gather3A_732] in [0] : vector<16xf32>, vector<16xi32> -> vector<16xf32>
    %select_n3A_734 = arith.select %convert_element_type3A_57, %gather3A_730, %gather3A_733 : vector<16xi1>, vector<16xf32>
    %swap3A_735 = arith.constant 448 : index
    %swap3A_736 = tpu.vector_load %arg7[%swap3A_735] {strides = array<i32>} : memref<512xf32, #tpu.memory_space<vmem>>, vector<16xf32>,
    %swap3A_737 = vector.shape_cast %swap3A_736 : vector<16xf32> to vector<16xf32>
    %swap3A_738 = vector.shape_cast %select_n3A_727 : vector<16xf32> to vector<16xf32>
    tpu.vector_store %arg7[%swap3A_735], %swap3A_738 {strides = array<i32>} : memref<512xf32, #tpu.memory_space<vmem>>, vector<16xf32>,
    %swap3A_739 = arith.constant 464 : index
    %swap3A_740 = tpu.vector_load %arg7[%swap3A_739] {strides = array<i32>} : memref<512xf32, #tpu.memory_space<vmem>>, vector<16xf32>,
    %swap3A_741 = vector.shape_cast %swap3A_740 : vector<16xf32> to vector<16xf32>
    %swap3A_742 = vector.shape_cast %select_n3A_734 : vector<16xf32> to vector<16xf32>
    tpu.vector_store %arg7[%swap3A_739], %swap3A_742 {strides = array<i32>} : memref<512xf32, #tpu.memory_space<vmem>>, vector<16xf32>,
    %get3A_743 = arith.constant 240 : index
    %get3A_744 = tpu.vector_load %arg5[%get3A_743] {strides = array<i32>} : memref<264xf32, #tpu.memory_space<vmem>>, vector<16xf32>,
    %get3A_745 = vector.shape_cast %get3A_744 : vector<16xf32> to vector<16xf32>
    %get3A_746 = arith.constant 240 : index
    %get3A_747 = tpu.vector_load %arg6[%get3A_746] {strides = array<i32>} : memref<264xf32, #tpu.memory_space<vmem>>, vector<16xf32>,
    %get3A_748 = vector.shape_cast %get3A_747 : vector<16xf32> to vector<16xf32>
    %get3A_749 = arith.constant 241 : index
    %get3A_750 = tpu.vector_load %arg5[%get3A_749] {strides = array<i32>} : memref<264xf32, #tpu.memory_space<vmem>>, vector<16xf32>,
    %get3A_751 = vector.shape_cast %get3A_750 : vector<16xf32> to vector<16xf32>
    %mul3A_752 = arith.mulf %get3A_745, %get3A_751 : vector<16xf32>
    %get3A_753 = arith.constant 242 : index
    %get3A_754 = tpu.vector_load %arg5[%get3A_753] {strides = array<i32>} : memref<264xf32, #tpu.memory_space<vmem>>, vector<16xf32>,
    %get3A_755 = vector.shape_cast %get3A_754 : vector<16xf32> to vector<16xf32>
    %mul3A_756 = arith.mulf %get3A_748, %get3A_755 : vector<16xf32>
    %add3A_757 = arith.addf %mul3A_752, %mul3A_756 : vector<16xf32>
    %get3A_758 = arith.constant 241 : index
    %get3A_759 = tpu.vector_load %arg6[%get3A_758] {strides = array<i32>} : memref<264xf32, #tpu.memory_space<vmem>>, vector<16xf32>,
    %get3A_760 = vector.shape_cast %get3A_759 : vector<16xf32> to vector<16xf32>
    %mul3A_761 = arith.mulf %get3A_745, %get3A_760 : vector<16xf32>
    %get3A_762 = arith.constant 242 : index
    %get3A_763 = tpu.vector_load %arg6[%get3A_762] {strides = array<i32>} : memref<264xf32, #tpu.memory_space<vmem>>, vector<16xf32>,
    %get3A_764 = vector.shape_cast %get3A_763 : vector<16xf32> to vector<16xf32>
    %mul3A_765 = arith.mulf %get3A_748, %get3A_764 : vector<16xf32>
    %add3A_766 = arith.addf %mul3A_761, %mul3A_765 : vector<16xf32>
    %reshape3A_767 = vector.shape_cast %shift_right_logical3A_50 : vector<16xi32> to vector<16x1xi32>
    %gather3A_768 = vector.shape_cast %reshape3A_767 : vector<16x1xi32> to vector<16xi32>
    %gather3A_769 = tpu.dynamic_gather %add3A_766[%gather3A_768] in [0] : vector<16xf32>, vector<16xi32> -> vector<16xf32>
    %reshape3A_770 = vector.shape_cast %shift_right_logical3A_50 : vector<16xi32> to vector<16x1xi32>
    %gather3A_771 = vector.shape_cast %reshape3A_770 : vector<16x1xi32> to vector<16xi32>
    %gather3A_772 = tpu.dynamic_gather %add3A_757[%gather3A_771] in [0] : vector<16xf32>, vector<16xi32> -> vector<16xf32>
    %select_n3A_773 = arith.select %convert_element_type3A_57, %gather3A_769, %gather3A_772 : vector<16xi1>, vector<16xf32>
    %reshape3A_774 = vector.shape_cast %add3A_53 : vector<16xi32> to vector<16x1xi32>
    %gather3A_775 = vector.shape_cast %reshape3A_774 : vector<16x1xi32> to vector<16xi32>
    %gather3A_776 = tpu.dynamic_gather %add3A_766[%gather3A_775] in [0] : vector<16xf32>, vector<16xi32> -> vector<16xf32>
    %reshape3A_777 = vector.shape_cast %add3A_53 : vector<16xi32> to vector<16x1xi32>
    %gather3A_778 = vector.shape_cast %reshape3A_777 : vector<16x1xi32> to vector<16xi32>
    %gather3A_779 = tpu.dynamic_gather %add3A_757[%gather3A_778] in [0] : vector<16xf32>, vector<16xi32> -> vector<16xf32>
    %select_n3A_780 = arith.select %convert_element_type3A_57, %gather3A_776, %gather3A_779 : vector<16xi1>, vector<16xf32>
    %swap3A_781 = arith.constant 480 : index
    %swap3A_782 = tpu.vector_load %arg7[%swap3A_781] {strides = array<i32>} : memref<512xf32, #tpu.memory_space<vmem>>, vector<16xf32>,
    %swap3A_783 = vector.shape_cast %swap3A_782 : vector<16xf32> to vector<16xf32>
    %swap3A_784 = vector.shape_cast %select_n3A_773 : vector<16xf32> to vector<16xf32>
    tpu.vector_store %arg7[%swap3A_781], %swap3A_784 {strides = array<i32>} : memref<512xf32, #tpu.memory_space<vmem>>, vector<16xf32>,
    %swap3A_785 = arith.constant 496 : index
    %swap3A_786 = tpu.vector_load %arg7[%swap3A_785] {strides = array<i32>} : memref<512xf32, #tpu.memory_space<vmem>>, vector<16xf32>,
    %swap3A_787 = vector.shape_cast %swap3A_786 : vector<16xf32> to vector<16xf32>
    %swap3A_788 = vector.shape_cast %select_n3A_780 : vector<16xf32> to vector<16xf32>
    tpu.vector_store %arg7[%swap3A_785], %swap3A_788 {strides = array<i32>} : memref<512xf32, #tpu.memory_space<vmem>>, vector<16xf32>,
    %mul3A_789 = arith.constant 2 : i32
    %mul3A_790 = arith.muli %mul3A_789, %mul3A_0 : i32
    "tpu.region"() ({
      %run_scoped3A = tpu.sem_alloc : memref<!tpu.dma_semaphore, #tpu.memory_space<semaphore_mem>>
      %dma_start3A_791 = tpu.memref_slice %arg4[%mul3A_790] : memref<8192xf32, #tpu.memory_space<hbm>> -> memref<512xf32, #tpu.memory_space<hbm>>
      %dma_start3A_792 = tpu.memref_slice %arg4[%mul3A_790] : memref<8192xf32, #tpu.memory_space<hbm>> -> memref<512xf32, #tpu.memory_space<hbm>>
      tpu.enqueue_dma source(%arg7 : memref<512xf32, #tpu.memory_space<vmem>>) target(%dma_start3A_792 : memref<512xf32, #tpu.memory_space<hbm>>) target_semaphore(%run_scoped3A : memref<!tpu.dma_semaphore, #tpu.memory_space<semaphore_mem>>)
      %dma_wait3A_793 = tpu.memref_slice %arg4[%mul3A_790] : memref<8192xf32, #tpu.memory_space<hbm>> -> memref<512xf32, #tpu.memory_space<hbm>>
      %dma_wait3A_794 = tpu.memref_slice %arg4[%mul3A_790] : memref<8192xf32, #tpu.memory_space<hbm>> -> memref<512xf32, #tpu.memory_space<hbm>>
      tpu.wait_dma2 semaphore(%run_scoped3A : memref<!tpu.dma_semaphore, #tpu.memory_space<semaphore_mem>>) src(%arg7 : memref<512xf32, #tpu.memory_space<vmem>>) dst(%dma_wait3A_794 : memref<512xf32, #tpu.memory_space<hbm>>)
      tpu.yield
    }) : () -> ()
    return
  }
}

module attributes {stable_mosaic.version = 14 : i64} {
  func.func @_lin_body(%arg0: i32, %arg1: memref<2048x1024xf32, #tpu.memory_space<vmem>>, %arg2: memref<2x1024xf32, #tpu.memory_space<vmem>>, %arg3: memref<2x1xf32, #tpu.memory_space<vmem>>, %arg4: memref<2048xf32, #tpu.memory_space<vmem>>, %arg5: memref<2048xf32, #tpu.memory_space<vmem>>) attributes {dimension_semantics = [#tpu.dimension_semantics<arbitrary>], iteration_bounds = array<i64: 2>, scalar_prefetch = 0 : i64, scratch_operands = 0 : i64, tpu.core_type = #tpu.core_type<tc>, window_params = [{transform_indices = @transform_0, window_bounds = array<i64: 2048, 1024>}, {pipeline_mode = #tpu.pipeline_mode<synchronous>, transform_indices = @transform_1, window_bounds = array<i64: 2, 1024>}, {pipeline_mode = #tpu.pipeline_mode<synchronous>, transform_indices = @transform_2, window_bounds = array<i64: 2, 1>}, {transform_indices = @transform_3, window_bounds = array<i64: 2048>}, {transform_indices = @transform_4, window_bounds = array<i64: 2048>}]} {
    %get3A = arith.constant 0 : index
    %get3A_0 = arith.constant 0 : index
    %get3A_1 = vector.load %arg2[%get3A, %get3A_0] : memref<2x1024xf32, #tpu.memory_space<vmem>>, vector<2x1024xf32>
    %get3A_2 = arith.constant 0 : index
    %get3A_3 = arith.constant 0 : index
    %get3A_4 = vector.load %arg1[%get3A_2, %get3A_3] : memref<2048x1024xf32, #tpu.memory_space<vmem>>, vector<2048x1024xf32>
    %dot_general3A = arith.constant dense<0.000000e+00> : vector<2x2048xf32>
    %dot_general3A_5 = tpu.matmul %get3A_1, %get3A_4, %dot_general3A {dimension_numbers = #tpu.dot_dimension_numbers<[1], [1], [0], [0], [0, 0, 1, 0], [], []>, transpose_lhs_hint = false} : vector<2x1024xf32>, vector<2048x1024xf32>, vector<2x2048xf32> -> vector<2x2048xf32>
    %get3A_6 = arith.constant 0 : index
    %get3A_7 = arith.constant 0 : index
    %get3A_8 = vector.load %arg3[%get3A_6, %get3A_7] : memref<2x1xf32, #tpu.memory_space<vmem>>, vector<2x1xf32>
    %add3A = vector.broadcast %get3A_8 : vector<2x1xf32> to vector<2x2048xf32>
    %add3A_9 = arith.addf %dot_general3A_5, %add3A : vector<2x2048xf32>
    %slice3A = vector.extract_strided_slice %add3A_9 {offsets = [0, 0], sizes = [1, 2048], strides = [1, 1]} : vector<2x2048xf32> to vector<1x2048xf32>
    %squeeze3A = vector.shape_cast %slice3A : vector<1x2048xf32> to vector<2048xf32>
    %swap3A = arith.constant 0 : index
    %swap3A_10 = vector.load %arg4[%swap3A] : memref<2048xf32, #tpu.memory_space<vmem>>, vector<2048xf32>
    tpu.vector_store %arg4[%swap3A], %squeeze3A {strides = array<i32>} : memref<2048xf32, #tpu.memory_space<vmem>>, vector<2048xf32>,
    %slice3A_11 = vector.extract_strided_slice %add3A_9 {offsets = [1, 0], sizes = [1, 2048], strides = [1, 1]} : vector<2x2048xf32> to vector<1x2048xf32>
    %squeeze3A_12 = vector.shape_cast %slice3A_11 : vector<1x2048xf32> to vector<2048xf32>
    %swap3A_13 = arith.constant 0 : index
    %swap3A_14 = vector.load %arg5[%swap3A_13] : memref<2048xf32, #tpu.memory_space<vmem>>, vector<2048xf32>
    tpu.vector_store %arg5[%swap3A_13], %squeeze3A_12 {strides = array<i32>} : memref<2048xf32, #tpu.memory_space<vmem>>, vector<2048xf32>,
    return
  }
  func.func @transform_0(%arg0: i32) -> (i32, i32) {
    %c0_i32 = arith.constant 0 : i32
    %c0_i32_0 = arith.constant 0 : i32
    return %arg0, %c0_i32 : i32, i32
  }
  func.func @transform_1(%arg0: i32) -> (i32, i32) {
    %c0_i32 = arith.constant 0 : i32
    %c0_i32_0 = arith.constant 0 : i32
    %c0_i32_1 = arith.constant 0 : i32
    return %c0_i32, %c0_i32_0 : i32, i32
  }
  func.func @transform_2(%arg0: i32) -> (i32, i32) {
    %c0_i32 = arith.constant 0 : i32
    %c0_i32_0 = arith.constant 0 : i32
    %c0_i32_1 = arith.constant 0 : i32
    return %c0_i32, %c0_i32_0 : i32, i32
  }
  func.func @transform_3(%arg0: i32) -> i32 {
    %c0_i32 = arith.constant 0 : i32
    return %arg0 : i32
  }
  func.func @transform_4(%arg0: i32) -> i32 {
    %c0_i32 = arith.constant 0 : i32
    return %arg0 : i32
  }
}

</mosaic_0001>

<sc_bundles>
// kernel: kernel.4.cloned.1.call-start
scs
__scs_entry_jumppad:
0x0: {  	(pc) =	sbr.rel $0x88, $3  }
0x1: {  	(tag) =	ssettag $0x0;
	lr =	simm.s32 $0x1  }
0x2: {  	[smem:$0x3F9E] =	sst lr;
	_ =	strace $0xD0000000  }
0x3: {  	_ = 	snop  }
0x4: {  	_ = 	snop  }
0x5: {  	_ = 	snop  }
0x6: {  	_ = 	snop  }
0x7: {  	_ = 	snop  }
__scs_overlays_trampoline_lowered:
0x8: {  	[smem:$0x3FAD] =	sst s0  }
0x9: {  	[smem:$0x3FAE] =	sst s1  }
0xa: {  	[smem:$0x3FAF] =	sst s2  }
0xb: {  	[smem:$0x3FB0] =	sst s3  }
0xc: {  	[smem:$0x3FB1] =	sst s4  }
0xd: {  	[smem:$0x3FB2] =	sst s5  }
0xe: {  	[smem:$0x3FB3] =	sst s6  }
0xf: {  	[smem:$0x3FB4] =	sst s7  }
0x10: {  	[smem:$0x3FB5] =	sst s8  }
0x11: {  	[smem:$0x3FB6] =	sst s9;
	s0 =	simm.s32 @!p0 $0x0  }
0x12: {  	s1 =	sld [smem:$0x3F9C];
	s0 =	simm.s32 @p0 $0x1  }
0x13: {  	[smem:$0x3FB7] =	sst s0;
	s0 =	simm.s32 @!p1 $0x0  }
0x14: {  	s2 =	sld [smem:$0x3F9B];
	s0 =	simm.s32 @p1 $0x1  }
0x15: {  	[smem:$0x3FB8] =	sst s0;
	s0 =	simm.s32 @!p2 $0x0  }
0x16: {  	s3 =	sld [smem:$0x3FDB];
	s0 =	simm.s32 @p2 $0x1  }
0x17: {  	s4 =	simm.s32 $0x1BF5;
	[smem:$0x3FBA] =	sst s0  }
0x18: {  	s0 =	sld [smem:$0x3F9D];
	_ =	swait.ge [sflag:s4], $0x0  }
0x19: {  	s7 =	sld [smem:$0x3F9E]  }
0x1a: {  	s8 =	sadd.s32 $0xFFFFE003, lr  }
0x1b: {  	s9 =	sadd.s32 $0xFFFFFEF7, lr;
	s5 =	simm.s32 $0xFFFFFFFF;
	p2 =	slt.u32 s8, $0xFFFFF086  }
0x1c: {  	p1 =	slt.u32 s9, $0xF7A;
	s5 =	simm.s32 @!p2 $0x0  }
0x1d: {  	s5 =	simm.s32 @p1 $0x1;
	p0 =	seq.s32 s7, s2  }
0x1e: {  	s7 =	smul.u32 @!p0 $0xF7A, s2;
	p2 =	seq.s32 @!p0 s5, $0x0  }
0x1f: {  	s9 =	smul.u32 $0xF7A, s1;
	s8 =	simm.s32 @!p0 $0x1BF5;
	p2 =	por !p2, p0  }
0x20: {  	[sflag:s8] =	ssyncset.s32 @!p0 $0xFFFFF086;
	s6 =	sadd.s32 @!p0 s3, s7;
	s7 =	simm.s32 @!p0 $0x108  }
0x21: {  	s3 =	sadd.s32 s3, s9;
	s6 =	sadd.s32 @!p0 $0x88, s6;
	s7 =	simm.s32 @p2 $0x1082  }
0x22: {  	[simem:s7], [sflag:s8] =	dma.local @!p0 [hbm:s6], $0xF7A  }
0x23: {  	s9 =	sor.u32 $0xD0000000, s2;
	s6 =	simm.s32 $0x108;
	_ =	swait.ge @!p0 [sflag:s8], $0x0  }
0x24: {  	s3 =	sadd.s32 $0x88, s3;
	s6 =	simm.s32 @!p1 $0x1082;
	[sflag:s4] =	ssyncset.s32 $0xFFFFF086  }
0x25: {  	[simem:s6], [sflag:s4] =	dma.local [hbm:s3], $0xF7A  }
0x26: {  	[smem:$0x3F9E] =	sst s1;
	(tag) =	ssettag s2;
	_ =	strace s9  }
0x27: {  	s1 =	sld [smem:$0x3FAE]  }
0x28: {  	s2 =	sld [smem:$0x3FAF]  }
0x29: {  	s4 =	sld [smem:$0x3FB1]  }
0x2a: {  	p0 =	seq.s32 s5, $0x0;
	s5 =	sld [smem:$0x3FB2]  }
0x2b: {  	s6 =	sld [smem:$0x3FB3]  }
0x2c: {  	s7 =	sld [smem:$0x3FB4]  }
0x2d: {  	s3 =	simm.s32 $0x108;
	s8 =	sld [smem:$0x3FB5]  }
0x2e: {  	s3 =	simm.s32 @!p0 $0x1082;
	s9 =	sld [smem:$0x3FB6]  }
0x2f: {  	lr =	sadd.s32 s0, s3;
	s0 =	sld [smem:$0x3FAD]  }
0x30: {  	s3 =	sld [smem:$0x3FB0]  }
0x31: {  	[smem:$0x3FB9] =	sst s10  }
0x32: {  	s10 =	sld [smem:$0x3FB7];
	_ =	sdelay $0x3  }
0x33: {  	p0 =	seq.s32 s10, $0x1;
	s10 =	sld [smem:$0x3FB9];
	_ =	sdelay $0x3  }
0x34: {  	[smem:$0x3FB9] =	sst s10  }
0x35: {  	s10 =	sld [smem:$0x3FB8];
	_ =	sdelay $0x3  }
0x36: {  	p1 =	seq.s32 s10, $0x1;
	s10 =	sld [smem:$0x3FB9];
	_ =	sdelay $0x3  }
0x37: {  	[smem:$0x3FB9] =	sst s10  }
0x38: {  	s10 =	sld [smem:$0x3FBA]  }
0x39: {  	_ = 	snop;
	(pc) =	sbr.ind lr, $3  }
0x3a: {  	_ = 	snop  }
0x3b: {  	_ = 	snop  }
0x3c: {  	p2 =	seq.s32 s10, $0x1;
	s10 =	sld [smem:$0x3FB9]  }
0x3d: {  	_ =	shalt  }
0x3e: {  	_ =	shalt  }
0x3f: {  	_ =	shalt  }
0x40: {  	_ =	shalt  }
0x41: {  	_ =	shalt  }
0x42: {  	_ =	shalt  }
0x43: {  	_ =	shalt  }
0x44: {  	_ =	shalt  }
0x45: {  	_ =	shalt  }
0x46: {  	_ =	shalt  }
0x47: {  	_ =	shalt  }
0x48: {  	_ =	shalt  }
0x49: {  	_ =	shalt  }
0x4a: {  	_ =	shalt  }
0x4b: {  	_ =	shalt  }
0x4c: {  	_ =	shalt  }
0x4d: {  	_ =	shalt  }
0x4e: {  	_ =	shalt  }
0x4f: {  	_ =	shalt  }
0x50: {  	_ =	shalt  }
0x51: {  	_ =	shalt  }
0x52: {  	_ =	shalt  }
0x53: {  	_ =	shalt  }
0x54: {  	_ =	shalt  }
0x55: {  	_ =	shalt  }
0x56: {  	_ =	shalt  }
0x57: {  	_ =	shalt  }
0x58: {  	_ =	shalt  }
0x59: {  	_ =	shalt  }
0x5a: {  	_ =	shalt  }
0x5b: {  	_ =	shalt  }
0x5c: {  	_ =	shalt  }
0x5d: {  	_ =	shalt  }
0x5e: {  	_ =	shalt  }
0x5f: {  	_ =	shalt  }
0x60: {  	_ =	shalt  }
0x61: {  	_ =	shalt  }
0x62: {  	_ =	shalt  }
0x63: {  	_ =	shalt  }
0x64: {  	_ =	shalt  }
0x65: {  	_ =	shalt  }
0x66: {  	_ =	shalt  }
0x67: {  	_ =	shalt  }
0x68: {  	_ =	shalt  }
0x69: {  	_ =	shalt  }
0x6a: {  	_ =	shalt  }
0x6b: {  	_ =	shalt  }
0x6c: {  	_ =	shalt  }
0x6d: {  	_ =	shalt  }
0x6e: {  	_ =	shalt  }
0x6f: {  	_ =	shalt  }
0x70: {  	_ =	shalt  }
0x71: {  	_ =	shalt  }
0x72: {  	_ =	shalt  }
0x73: {  	_ =	shalt  }
0x74: {  	_ =	shalt  }
0x75: {  	_ =	shalt  }
0x76: {  	_ =	shalt  }
0x77: {  	_ =	shalt  }
0x78: {  	_ =	shalt  }
0x79: {  	_ =	shalt  }
0x7a: {  	_ =	shalt  }
0x7b: {  	_ =	shalt  }
0x7c: {  	_ =	shalt  }
0x7d: {  	_ =	shalt  }
0x7e: {  	_ =	shalt  }
0x7f: {  	_ =	shalt  }
0x80: {  	_ =	shalt  }
0x81: {  	_ =	shalt  }
0x82: {  	_ =	shalt  }
0x83: {  	_ =	shalt  }
0x84: {  	_ =	shalt  }
0x85: {  	_ =	shalt  }
0x86: {  	_ =	shalt  }
0x87: {  	_ =	shalt  }
.Lfunc_end0:
.L_simem_size_0:
called_computation_lowered:
.L_overlay_start_0:
0x88: {  	s0 =	sld [smem:$0x3FD9]  }
0x89: {  	s1 =	sld [smem:$0x3FFE];
	_ =	sdelay $0x3  }
0x8a: {  	s0 =	sadd.s32 s1, s0  }
0x8b: {  	[smem:$0x3FC5] =	sst s0  }
0x8c: {  	_ = 	snop  }
0x8d: {  	s0 =	sld [smem:$0x3FD0];
	(tm) =	ssettm $0x1  }
0x8e: {  	s16 =	sld [smem:$0x3FFB];
	_ =	sdelay $0x3  }
0x8f: {  	_ =	strace s16  }
0x90: {  	s1 =	sld [smem:$0x3FFC];
	_ =	sdelay $0x3  }
0x91: {  	_ =	strace s1  }
0x92: {  	s1 =	sld [smem:$0x3FFD];
	_ =	sdelay $0x3  }
0x93: {  	_ =	strace s1  }
0x94: {  	_ =	strace $0x8FFFFFFF  }
0x95: {  	s17 =	sld [smem:$0x3FDB];
	_ =	sdelay $0x1  }
0x96: {  	s2 =	simm.s32 $_scs_section_size  }
0x97: {  	s3 =	simm.s32 $_size__tile_overlayer_lowered;
	s4 =	simm.s32 $_tile_overlayer_lowered  }
0x98: {  	s20 =	simm.s32 $0x1BFF;
	s19 =	sshll.u32 s4, $0x1;
	s1 =	sadd.s32 s2, s17  }
0x99: {  	s5 =	simm.s32 $0x0;
	s18 =	sshll.u32 s3, $0x1;
	s3 =	sadd.s32 s19, s1  }
0x9a: {  	[timem:s5], [sflag:s20] =	dma.local [hbm:s3], s18  }
0x9b: {  	_ =	swait.ge [sflag:s20], s18  }
0x9c: {  	s2 =	ssub.s32 $0x0, s18;
	[sflag:s20] =	ssyncset.done $0x0  }
0x9d: {  	[sflag:s20] =	ssyncadd.s32 s2;
	_ =	sdelay $0x1  }
0x9e: {  	s21 =	simm.s32 $0x1B8B  }
0x9f: {  	_ =	swait.ge [sflag:s21], $0x1  }
0xa0: {  	[sflag:s21] =	ssyncset.done $0x0  }
0xa1: {  	s23 =	simm.s32 $0x1B8E;
	s22 =	sld [smem:$0x3FFE];
	[sflag:s21] =	ssyncadd.s32 $0xFFFFFFFF  }
0xa2: {  	s24 =	simm.s32 $execute0_lowered;
	[smem:$0x3FD2] =	sst s23  }
0xa3: {  	s3 =	sshll.u32 s24, $0x1;
	_ =	strace $0x80000046;
	[dreg:$0x1] =	wrdreg $0xFFFFFFFF  }
0xa4: {  	s25 =	simm.s32 $_size_execute0_lowered;
	s1 =	sadd.s32 s1, s3;
	[dreg:$0x0] =	wrdreg $0x0  }
0xa5: {  	s3 =	sshll.u32 s25, $0x1;
	[dreg:$0x2] =	wrdreg s1  }
0xa6: {  	[dreg:$0x3] =	wrdreg s3  }
0xa7: {  	[dreg:$0x4] =	wrdreg $0xC0  }
0xa8: {  	_ =	task [dreg:s5], $0x5FFFF  }
0xa9: {  	[dreg:$0x1] =	wrdreg $0xFFFFFFFF  }
0xaa: {  	[dreg:$0x0] =	wrdreg $0x60  }
0xab: {  	[dreg:$0x2] =	wrdreg s22  }
0xac: {  	[dreg:$0x3] =	wrdreg s0  }
0xad: {  	[dreg:$0x4] =	wrdreg $0x9  }
0xae: {  	_ =	task.clear_ibuf [dreg:s5], $0x5FFFF;
	_ =	strace $0x90000046  }
0xaf: {  	s26 =	simm.s32 $0x9;
	_ =	strace $0x80000048  }
0xb0: {  	_ =	swait.ge [sflag:s26], $0x1  }
0xb1: {  	[sflag:s26] =	ssyncadd.s32 $0xFFFFFFFF  }
0xb2: {  	_ =	strace $0x90000048  }
0xb3: {  	_ =	sfence  }
0xb4: {  	s28 =	sld [smem:$0x0];
	_ =	sdelay $0x1  }
0xb5: {  	s29 =	srdreg.scid  }
0xb6: {  	s30 =	sshll.u32 s29, $0xD;
	s31 =	sshrl.u32 s29, $0x2  }
0xb7: {  	s2 =	sand.u32 $0x4000, s30;
	s1 =	sand.u32 $0x1, s29;
	s0 =	sadd.s32 s31, s28  }
0xb8: {  	s1 =	sor.u32 s2, s1;
	s0 =	sshll.u32 s0, $0x11  }
0xb9: {  	s0 =	sor.u32 s0, s1  }
0xba: {  	s0 =	sadd.s32 $0x8F2B, s0  }
0xbb: {  	[sflag:s0] =	ssyncadd.remote.s32 $0x1  }
0xbc: {  	_ =	sfence.sel $0xFFFF  }
0xbd: {  	[dreg:$0x0] =	wrdreg $0xFFFFFFFF;
	(pc) =	sbr.abs _section_cstart, $3  }
0xbe: {  	[dreg:$0x1] =	wrdreg $0xFFFFFFFF  }
0xbf: {  	_ =	task.clear_ibuf [dreg:s5], $0x2FFFF;
	_ =	strace $0x9FFFFFFF  }
0xc0: {  	(tm) =	ssettm $0x7FFFFFFF  }
0xc1: {  	_ =	shalt  }
tec
execute0_lowered:
.L_overlay_start_1:
0x0: {  	(tag) =	ssettag $0x1  }
0x1: {  	s4 =	rddreg [dreg:$0x0]  }
0x2: {  	s2 =	rddreg [dreg:$0x1];
	s1 =	stileid.u32  }
0x3: {  	s0 =	rddreg [dreg:$0x2];
	s3 =	simm.s32 $0x0;
	s5 =	sshll.u32 s1, $0x5  }
0x4: {  	[smem:$0x7FF] =	sst s3;
	s6 =	sadd.s32 $0xE00, s4;
	s7 =	sadd.s32 $0x20, s5  }
0x5: {  	_ =	strace $0x80000047;
	s8 =	sadd.s32 s6, s5;
	s7 =	sand.u32 $0x1E0, s7  }
0x6: {  	[tilespmem:s3], [sflag:$0x1] =	stream.linear.gather [hbm4b:s8+s3], $0x100, $0x38;
	[tilespmem:$0x500] =	vst v63  }
0x7: {  	s24 =	simm.s32 $0x100;
	s4 =	sadd.s32 $0x1000, s4;
	s6 =	sadd.s32 s6, s7  }
0x8: {  	[tilespmem:s24], [sflag:$0x1] =	stream.linear.gather [hbm4b:s6+s3], $0x8, $0x38;
	[tilespmem:$0x500] =	vst v63  }
0x9: {  	s25 =	simm.s32 $0x180;
	s5 =	sadd.s32 s4, s5  }
0xa: {  	[tilespmem:s25], [sflag:$0x1] =	stream.linear.gather [hbm4b:s5+s3], $0x100, $0x38;
	[tilespmem:$0x500] =	vst v63  }
0xb: {  	s26 =	simm.s32 $0x280;
	s28 =	simm.s32 $0x1;
	s4 =	sadd.s32 s4, s7  }
0xc: {  	[tilespmem:s26], [sflag:$0x1] =	stream.linear.gather [hbm4b:s4+s3], $0x8, $0x38;
	[tilespmem:$0x500] =	vst v63  }
0xd: {  	_ =	swait.ge [sflag:s28], $0x100  }
0xe: {  	[sflag:s28] =	ssyncset.done $0x0  }
0xf: {  	[sflag:s28] =	ssyncadd.s32 $0xFFFFFF00  }
0x10: {  	_ =	swait.ge [sflag:s28], $0x8  }
0x11: {  	[sflag:s28] =	ssyncset.done $0x0  }
0x12: {  	[sflag:s28] =	ssyncadd.s32 $0xFFFFFFF8  }
0x13: {  	_ =	swait.ge [sflag:s28], $0x100  }
0x14: {  	[sflag:s28] =	ssyncset.done $0x0  }
0x15: {  	[sflag:s28] =	ssyncadd.s32 $0xFFFFFF00  }
0x16: {  	_ =	swait.ge [sflag:s28], $0x8  }
0x17: {  	[sflag:s28] =	ssyncset.done $0x0  }
0x18: {  	[sflag:s28] =	ssyncadd.s32 $0xFFFFFFF8  }
0x19: {  	v0 =	vld [tilespmem:$0x0]  }
0x1a: {  	v1 =	vld [tilespmem:$0x180]  }
0x1b: {  	v2 =	vld [tilespmem:$0x1]  }
0x1c: {  	v3 =	vld [tilespmem:$0x2]  }
0x1d: {  	v4 =	vld [tilespmem:$0x181]  }
0x1e: {  	v5 =	vld [tilespmem:$0x182]  }
0x1f: {  	v6 =	vld [tilespmem:$0x10]  }
0x20: {  	v7 =	vld [tilespmem:$0x190]  }
0x21: {  	v8 =	vld [tilespmem:$0x11]  }
0x22: {  	v9 =	vld [tilespmem:$0x12]  }
0x23: {  	v10 =	vld [tilespmem:$0x191]  }
0x24: {  	v11 =	vld [tilespmem:$0x192]  }
0x25: {  	v12 =	vld [tilespmem:$0x20]  }
0x26: {  	v13 =	vld [tilespmem:$0x1A0]  }
0x27: {  	v14 =	vld [tilespmem:$0x21]  }
0x28: {  	v15 =	vld [tilespmem:$0x22]  }
0x29: {  	v16 =	vld [tilespmem:$0x1A1]  }
0x2a: {  	v17 =	vld [tilespmem:$0x1A2]  }
0x2b: {  	v18 =	vld [tilespmem:$0x30]  }
0x2c: {  	v19 =	vld [tilespmem:$0x1B0]  }
0x2d: {  	v20 =	vld [tilespmem:$0x31]  }
0x2e: {  	v21 =	vld [tilespmem:$0x32]  }
0x2f: {  	v22 =	vld [tilespmem:$0x1B1]  }
0x30: {  	v23 =	vld [tilespmem:$0x1B2]  }
0x31: {  	v24 =	vld [tilespmem:$0x40]  }
0x32: {  	v25 =	vld [tilespmem:$0x1C0]  }
0x33: {  	v26 =	vld [tilespmem:$0x41]  }
0x34: {  	v27 =	vld [tilespmem:$0x42]  }
0x35: {  	v28 =	vld [tilespmem:$0x1C1]  }
0x36: {  	v29 =	vld [tilespmem:$0x1C2]  }
0x37: {  	v30 =	vld [tilespmem:$0x50]  }
0x38: {  	v31 =	vld [tilespmem:$0x1D0]  }
0x39: {  	v32 =	vld [tilespmem:$0x51]  }
0x3a: {  	v33 =	vld [tilespmem:$0x52]  }
0x3b: {  	v34 =	vld [tilespmem:$0x1D1]  }
0x3c: {  	v35 =	vld [tilespmem:$0x1D2]  }
0x3d: {  	vm0 =	vcmask $0xB08;
	vm1 =	vcmask $0x300;
	vm10 =	vcmask $0x1310;
	v36 =	vld [tilespmem:$0x60]  }
0x3e: {  	v53 =	vlaneseq.u32;
	v37 =	vld [tilespmem:$0x62];
	v2 =	vmul.f32 v2, v0;
	v3 =	vmul.f32 v3, v1  }
0x3f: {  	vm11 =	vcmask $0x1B18;
	v38 =	vld [tilespmem:$0x1E1];
	v0 =	vmul.f32 v4, v0;
	v1 =	vmul.f32 v5, v1  }
0x40: {  	vm12 =	vcmask $0x2320;
	v39 =	vld [tilespmem:$0x1E2];
	v10 =	vmul.f32 v10, v6;
	v11 =	vmul.f32 v11, v7  }
0x41: {  	vm13 =	vcmask $0x2B28;
	v43 =	vld [tilespmem:$0x1F0];
	v6 =	vmul.f32 v8, v6;
	v7 =	vmul.f32 v9, v7  }
0x42: {  	vm14 =	vcmask $0x3330;
	v44 =	vld [tilespmem:$0x1F2];
	v16 =	vmul.f32 v16, v12;
	v17 =	vmul.f32 v17, v13  }
0x43: {  	vm15 =	vcmask $0x3B38;
	v42 =	vld [tilespmem:$0x70];
	v55 =	vmul.f32 v14, v12;
	v56 =	vmul.f32 v15, v13  }
0x44: {  	vm0 =	vmor vm1, vm0;
	v46 =	vld [tilespmem:$0x80];
	v58 =	vmul.f32 v22, v18;
	v59 =	vmul.f32 v23, v19  }
0x45: {  	vm0 =	vmor vm0, vm10;
	v4 =	vld [tilespmem:$0x1E0];
	v60 =	vmul.f32 v20, v18;
	v61 =	vmul.f32 v21, v19  }
0x46: {  	vm0 =	vmor vm0, vm11;
	v8 =	vld [tilespmem:$0x71];
	v50 =	vmul.f32 v28, v24;
	v51 =	vmul.f32 v29, v25  }
0x47: {  	v13 =	vld [tilespmem:$0x81];
	v52 =	vmul.f32 v26, v24;
	v44 =	vmul.f32 v44, v43;
	v5 =	vadd.f32 v1, v0  }
0x48: {  	v19 =	vld [tilespmem:$0x201];
	v2 =	vadd.f32 v3, v2;
	v0 =	vshrl.u32 v53, $0x1;
	v54 =	vadd.f32 v11, v10  }
0x49: {  	v18 =	vld [tilespmem:$0x90];
	v53 =	vmul.f32 v27, v25;
	v1 =	vor.u32 $0x8, v0;
	v40 =	vperm.xlane v5, v0  }
0x4a: {  	v23 =	vld [tilespmem:$0x210];
	v6 =	vadd.f32 v7, v6;
	v41 =	vperm.xlane v2, v0;
	v5 =	vperm.xlane v5, v1  }
0x4b: {  	v29 =	vld [tilespmem:$0x92];
	v57 =	vadd.f32 v17, v16;
	v2 =	vperm.xlane v2, v1;
	v11 =	vperm.xlane v54, v0  }
0x4c: {  	v28 =	vld [tilespmem:$0x212];
	v15 =	vadd.f32 v59, v58;
	v45 =	vperm.xlane v6, v0;
	v9 =	vperm.xlane v54, v1  }
0x4d: {  	v3 =	vld [tilespmem:$0x61];
	v12 =	vadd.f32 v61, v60;
	v6 =	vperm.xlane v6, v1;
	v62 =	vperm.xlane v57, v0  }
0x4e: {  	vm0 =	vmor vm0, vm12;
	v10 =	vld [tilespmem:$0x72];
	v14 =	vperm.xlane v57, v1;
	v48 =	vperm.xlane v15, v0  }
0x4f: {  	v7 =	vld [tilespmem:$0x1F1];
	v21 =	vadd.f32 v51, v50;
	v49 =	vperm.xlane v12, v0;
	v15 =	vperm.xlane v15, v1  }
0x50: {  	vm0 =	vmor vm0, vm13;
	v17 =	vld [tilespmem:$0x82];
	v54 =	vmul.f32 v34, v30;
	v57 =	vmul.f32 v33, v31  }
0x51: {  	vm0 =	vmor vm0, vm14;
	v16 =	vld [tilespmem:$0x202];
	v12 =	vperm.xlane v12, v1;
	v58 =	vperm.xlane v21, v0  }
0x52: {  	vm0 =	vmor vm0, vm15;
	v25 =	vld [tilespmem:$0x211];
	v21 =	vperm.xlane v21, v1;
	v47 =	vmul.f32 v8, v42  }
0x53: {  	v27 =	vld [tilespmem:$0x220];
	v13 =	vmul.f32 v13, v46;
	v19 =	vmul.f32 v19, v46;
	v40 =	vsel vm0, v41, v40  }
0x54: {  	v34 =	vld [tilespmem:$0xA2];
	v2 =	vsel vm0, v2, v5;
	v5 =	vadd.f32 v56, v55;
	v55 =	vmul.f32 v35, v31  }
0x55: {  	v51 =	vld [tilespmem:$0x231];
	v6 =	vsel vm0, v6, v9;
	v56 =	vmul.f32 v32, v30;
	v3 =	vmul.f32 v3, v36  }
0x56: {  	v41 =	vld [tilespmem:$0x200];
	v9 =	vsel vm0, v49, v48;
	v7 =	vmul.f32 v7, v42;
	v48 =	vmul.f32 v10, v43  }
0x57: {  	v11 =	vsel vm0, v45, v11;
	v45 =	vld [tilespmem:$0x91];
	v63 =	vperm.xlane v5, v0;
	v5 =	vperm.xlane v5, v1  }
0x58: {  	v31 =	vld [tilespmem:$0xA0];
	v26 =	vadd.f32 v55, v54;
	v24 =	vadd.f32 v57, v56;
	v56 =	vmul.f32 v28, v23  }
0x59: {  	v30 =	vld [tilespmem:$0xA1];
	[tilespmem:$0x300] =	vst v40;
	v57 =	vmul.f32 v29, v23;
	v40 =	vmul.f32 v34, v27  }
0x5a: {  	v35 =	vld [tilespmem:$0x221];
	v7 =	vadd.f32 v44, v7;
	v60 =	vperm.xlane v26, v0;
	v61 =	vperm.xlane v24, v0  }
0x5b: {  	v49 =	vld [tilespmem:$0xB1];
	v20 =	vsel vm0, v63, v62;
	v26 =	vperm.xlane v26, v1;
	v62 =	vmul.f32 v38, v36  }
0x5c: {  	v42 =	vld [tilespmem:$0x240];
	v5 =	vsel vm0, v5, v14;
	v63 =	vmul.f32 v39, v4;
	v4 =	vmul.f32 v37, v4  }
0x5d: {  	v23 =	vld [tilespmem:$0x241];
	v14 =	vadd.f32 v53, v52;
	v24 =	vperm.xlane v24, v1;
	v52 =	vperm.xlane v7, v0  }
0x5e: {  	v29 =	vld [tilespmem:$0xD0];
	v16 =	vmul.f32 v16, v41;
	v17 =	vmul.f32 v17, v41  }
0x5f: {  	v44 =	vld [tilespmem:$0xC0];
	v55 =	vmul.f32 v45, v18;
	v18 =	vmul.f32 v25, v18  }
0x60: {  	v12 =	vsel vm0, v12, v15;
	v39 =	vld [tilespmem:$0x222];
	v7 =	vperm.xlane v7, v1;
	v59 =	vperm.xlane v14, v0  }
0x61: {  	v37 =	vld [tilespmem:$0x230];
	v14 =	vperm.xlane v14, v1;
	v33 =	vadd.f32 v63, v62;
	v3 =	vadd.f32 v4, v3  }
0x62: {  	v36 =	vld [tilespmem:$0xB2];
	v4 =	vadd.f32 v48, v47;
	v15 =	vsel vm0, v61, v60;
	v63 =	vmul.f32 v30, v31  }
0x63: {  	v53 =	vld [tilespmem:$0x232];
	v16 =	vadd.f32 v16, v19;
	v38 =	vperm.xlane v33, v0;
	v50 =	vperm.xlane v3, v0  }
0x64: {  	v41 =	vld [tilespmem:$0xC1];
	v13 =	vadd.f32 v17, v13;
	v33 =	vperm.xlane v33, v1;
	v3 =	vperm.xlane v3, v1  }
0x65: {  	v25 =	vld [tilespmem:$0xC2];
	v18 =	vadd.f32 v56, v18;
	v54 =	vperm.xlane v4, v0;
	v4 =	vperm.xlane v4, v1  }
0x66: {  	v45 =	vld [tilespmem:$0x251];
	v32 =	vsel vm0, v59, v58;
	v23 =	vmul.f32 v23, v44;
	v58 =	vperm.xlane v16, v0  }
0x67: {  	[tilespmem:$0x340] =	vst v20;
	v20 =	vld [tilespmem:$0x260];
	v17 =	vadd.f32 v57, v55;
	v60 =	vperm.xlane v13, v0;
	v16 =	vperm.xlane v16, v1  }
0x68: {  	v24 =	vsel vm0, v24, v26;
	v26 =	vld [tilespmem:$0x250];
	v13 =	vperm.xlane v13, v1;
	v61 =	vperm.xlane v18, v0  }
0x69: {  	[tilespmem:$0x310] =	vst v2;
	v30 =	vld [tilespmem:$0xD1];
	v14 =	vsel vm0, v14, v21;
	v62 =	vperm.xlane v17, v0;
	v47 =	vmul.f32 v53, v37  }
0x6a: {  	[tilespmem:$0x320] =	vst v11;
	v48 =	vld [tilespmem:$0x252];
	v17 =	vperm.xlane v17, v1;
	v38 =	vsel vm0, v50, v38;
	v3 =	vsel vm0, v3, v33  }
0x6b: {  	[tilespmem:$0x330] =	vst v6;
	v21 =	vld [tilespmem:$0xB0];
	v11 =	vsel vm0, v54, v52;
	v4 =	vsel vm0, v4, v7;
	v33 =	vmul.f32 v35, v31  }
0x6c: {  	[tilespmem:$0x360] =	vst v9;
	v59 =	vld [tilespmem:$0x242];
	v35 =	vmul.f32 v39, v27;
	v7 =	vadd.f32 v40, v63;
	v50 =	vmul.f32 v36, v37  }
0x6d: {  	[tilespmem:$0x370] =	vst v12;
	v55 =	vld [tilespmem:$0xE2];
	v57 =	vmul.f32 v41, v44;
	v6 =	vsel vm0, v62, v61;
	v62 =	vmul.f32 v25, v42  }
0x6e: {  	[tilespmem:$0x350] =	vst v5;
	v39 =	vld [tilespmem:$0xD2];
	v5 =	vsel vm0, v13, v16;
	v16 =	vmul.f32 v45, v29;
	v52 =	vperm.xlane v7, v0  }
0x6f: {  	[tilespmem:$0x3A0] =	vst v15;
	v63 =	vld [tilespmem:$0xF0];
	v46 =	vadd.f32 v35, v33;
	v7 =	vperm.xlane v7, v1;
	v33 =	vmul.f32 v30, v29  }
0x70: {  	[tilespmem:$0x3B0] =	vst v24;
	v37 =	vld [tilespmem:$0xF1];
	v10 =	vmul.f32 v49, v21;
	v8 =	vmul.f32 v51, v21  }
0x71: {  	v43 =	vld [tilespmem:$0x271];
	[tilespmem:$0x380] =	vst v32;
	v2 =	vsel vm0, v60, v58;
	v49 =	vperm.xlane v18, v1;
	v19 =	vmul.f32 v59, v42  }
0x72: {  	[tilespmem:$0x390] =	vst v14;
	v35 =	vadd.f32 v62, v57;
	v21 =	vmul.f32 v48, v26;
	v51 =	vperm.xlane v46, v0  }
0x73: {  	v53 =	vld [tilespmem:$0xE1];
	[tilespmem:$0x3C0] =	vst v38;
	v9 =	vperm.xlane v46, v1;
	v8 =	vadd.f32 v47, v8;
	v36 =	vmul.f32 v39, v26  }
0x74: {  	v58 =	vld [tilespmem:$0x261];
	[tilespmem:$0x3F0] =	vst v4;
	v10 =	vadd.f32 v50, v10;
	v42 =	vperm.xlane v35, v0;
	v4 =	vperm.xlane v35, v1  }
0x75: {  	[tilespmem:$0x3D0] =	vst v3;
	v18 =	vld [tilespmem:$0xE0];
	v32 =	vadd.f32 v19, v23;
	v50 =	vmul.f32 v55, v20;
	v55 =	vmul.f32 v37, v63  }
0x76: {  	[tilespmem:$0x3E0] =	vst v11;
	v59 =	vld [tilespmem:$0x262];
	v60 =	vsel vm0, v7, v9;
	v9 =	vmul.f32 v43, v63;
	v54 =	vperm.xlane v8, v0  }
0x77: {  	v34 =	vld [tilespmem:$0x270];
	[tilespmem:$0x400] =	vst v2;
	v16 =	vadd.f32 v21, v16;
	v56 =	vperm.xlane v10, v0;
	v61 =	vperm.xlane v8, v1  }
0x78: {  	v40 =	vld [tilespmem:$0xF2];
	[tilespmem:$0x410] =	vst v5;
	v10 =	vperm.xlane v10, v1;
	v39 =	vperm.xlane v32, v0  }
0x79: {  	[tilespmem:$0x420] =	vst v6;
	v46 =	vld [tilespmem:$0x272];
	v12 =	vsel vm0, v17, v49;
	v45 =	vperm.xlane v32, v1;
	v47 =	vperm.xlane v16, v0  }
0x7a: {  	v14 =	vsel vm0, v52, v51;
	[tilespmem:$0x430] =	vst v12;
	v49 =	vmul.f32 v53, v18;
	v52 =	vmul.f32 v58, v18  }
0x7b: {  	v41 =	vadd.f32 v36, v33;
	[tilespmem:$0x440] =	vst v14;
	v53 =	vmul.f32 v59, v20;
	v58 =	vperm.xlane v16, v1  }
0x7c: {  	[tilespmem:$0x450] =	vst v60;
	v38 =	vsel vm0, v56, v54;
	v44 =	vsel vm0, v10, v61;
	v8 =	vsel vm0, v42, v39  }
0x7d: {  	v48 =	vperm.xlane v41, v0;
	v4 =	vsel vm0, v4, v45;
	v56 =	vmul.f32 v40, v34;
	[tilespmem:$0x460] =	vst v38  }
0x7e: {  	v10 =	vmul.f32 v46, v34;
	v54 =	vadd.f32 v50, v49;
	[tilespmem:$0x470] =	vst v44;
	v57 =	vadd.f32 v53, v52  }
0x7f: {  	v5 =	vperm.xlane v41, v1;
	[tilespmem:$0x480] =	vst v8;
	v51 =	vsel vm0, v48, v47;
	v7 =	vadd.f32 v56, v55  }
0x80: {  	[tilespmem:$0x490] =	vst v4;
	v9 =	vadd.f32 v10, v9;
	v59 =	vperm.xlane v57, v0;
	v60 =	vperm.xlane v54, v0  }
0x81: {  	v5 =	vsel vm0, v5, v58;
	[tilespmem:$0x4A0] =	vst v51;
	v61 =	vperm.xlane v57, v1;
	v2 =	vperm.xlane v54, v1  }
0x82: {  	[tilespmem:$0x4B0] =	vst v5;
	v62 =	vperm.xlane v9, v0;
	v0 =	vperm.xlane v7, v0;
	v4 =	vsel vm0, v60, v59  }
0x83: {  	v63 =	vperm.xlane v9, v1;
	v1 =	vperm.xlane v7, v1;
	v2 =	vsel vm0, v2, v61;
	[tilespmem:$0x4C0] =	vst v4  }
0x84: {  	[tilespmem:$0x4D0] =	vst v2;
	v0 =	vsel vm0, v0, v62  }
0x85: {  	s29 =	sshll.u32 s1, $0x6;
	v1 =	vsel vm0, v1, v63;
	[tilespmem:$0x4E0] =	vst v0  }
0x86: {  	s30 =	simm.s32 $0x300;
	s31 =	simm.s32 $0x2;
	s2 =	sadd.s32 s2, s29;
	[tilespmem:$0x4F0] =	vst v1  }
0x87: {  	[hbm4b:s2+s3] =	stream.linear.scatter [tilespmem:s30], [sflag:$0x2], $0x200, $0x38;
	[tilespmem:$0x500] =	vst v63  }
0x88: {  	_ =	swait.ge [sflag:s31], $0x200  }
0x89: {  	[sflag:s31] =	ssyncset.done $0x0  }
0x8a: {  	[sflag:s31] =	ssyncadd.s32 $0xFFFFFE00  }
0x8b: {  	_ =	sfence.sel $0x180000  }
0x8c: {  	[bflag:$0x0] =	sbarrier.arrive $0xFFFF  }
0x8d: {  	p0 =	sne.s32 s1, $0x0;
	_ =	strace $0x90000047  }
0x8e: {  	s0 =	sadd.s32 @!p0 $0x100000, s0;
	[bflag:$0x2] =	sbarrier.arrive $0xFFFF  }
0x8f: {  	[sflag:s0] =	ssyncadd.tile.s32 @!p0 $0x1;
	_ =	shalt  }
.Lfunc_end2:
_tile_overlayer_lowered:
.L_overlay_start_2:
0x90: {  	(tag) =	ssettag $0x2  }
0x91: {  	s0 =	rddreg [dreg:$0x0];
	s2 =	stileid.u32  }
0x92: {  	s1 =	rddreg [dreg:$0x1];
	p0 =	sne.s32 s2, $0x0  }
0x93: {  	s3 =	rddreg [dreg:$0x2];
	[bflag:$0x3] =	sbarrier.arrive $0xFFFF;
	s2 =	simm.s32 @!p0 $0x1C02  }
0x94: {  	[timem:s3], [sflag:s2] =	dma.local @!p0 [hbm:s0], s1  }
0x95: {  	s0 =	simm.s32 @!p0 $0x2  }
0x96: {  	_ =	swait.ge @!p0 [sflag:s0], s1  }
0x97: {  	s1 =	ssub.s32 @!p0 $0x0, s1;
	[sflag:s0] =	ssyncset.done @!p0 $0x0  }
0x98: {  	[sflag:s0] =	ssyncadd.s32 @!p0 s1  }
0x99: {  	[bflag:$0x3] =	sbarrier.arrive $0xFFFF  }
0x9a: {  	_ =	shalt  }

</sc_bundles>
